<compile_context>
chip_gen: v7x
topology: tpu7x:2x2x1
jax: 0.10.2.dev20260603
libtpu: 0.0.44.dev20260713+nightly
codegen_flags: <defaults>
</compile_context>

<pallas_src>
import functools

import jax
import jax.numpy as jnp
from jax import lax
from jax.experimental import pallas as pl
from jax.experimental.pallas import tpu as pltpu
from jax.experimental.pallas import tpu_sc as plsc

B = 16384
D = 128
L = 16
NC = 2
NS = 16
NW = NC * NS
ROWS_PER_W = B // NW
CHUNK = 64
NCHUNK = ROWS_PER_W // CHUNK
GROUPS = D // L
RG = CHUNK // L


@functools.partial(
    pl.kernel,
    mesh=plsc.VectorSubcoreMesh(core_axis_name="c", subcore_axis_name="s"),
    out_type=jax.ShapeDtypeStruct((B,), jnp.float32),
    compiler_params=pltpu.CompilerParams(needs_layout_passes=False),
    scratch_types=[
        pltpu.VMEM((ROWS_PER_W,), jnp.int32),
        pltpu.VMEM((2, CHUNK * D), jnp.float32),
        pltpu.VMEM((2, CHUNK * D), jnp.float32),
        pltpu.VMEM((2, CHUNK, D), jnp.float32),
        pltpu.VMEM((ROWS_PER_W,), jnp.float32),
        pltpu.VMEM((CHUNK, L), jnp.float32),
        pltpu.SemaphoreType.DMA,
        pltpu.SemaphoreType.DMA,
    ],
)
def _dist_mult_sc(sub_hbm, obj_hbm, rel_hbm, tab_hbm, out_hbm,
                  idx_v, s_v, o_v, r_v, out_v, part_v, sem0, sem1):
    wid = lax.axis_index("s") * NC + lax.axis_index("c")
    base = wid * ROWS_PER_W
    pltpu.sync_copy(rel_hbm.at[pl.ds(base, ROWS_PER_W)], idx_v)
    lanes = lax.iota(jnp.int32, L)
    sems = (sem0, sem1)

    def start(c, p):
        off = (base + c * CHUNK) * D
        return (
            pltpu.async_copy(sub_hbm.at[pl.ds(off, CHUNK * D)], s_v.at[p],
                             sems[p]),
            pltpu.async_copy(obj_hbm.at[pl.ds(off, CHUNK * D)], o_v.at[p],
                             sems[p]),
            pltpu.async_copy(tab_hbm.at[idx_v.at[pl.ds(c * CHUNK, CHUNK)]],
                             r_v.at[p], sems[p]),
        )

    def wait_chunk(c, p):
        off = (base + c * CHUNK) * D
        pltpu.make_async_copy(sub_hbm.at[pl.ds(off, CHUNK * D)], s_v.at[p],
                              sems[p]).wait()
        pltpu.make_async_copy(obj_hbm.at[pl.ds(off, CHUNK * D)], o_v.at[p],
                              sems[p]).wait()
        pltpu.make_async_copy(tab_hbm.at[idx_v.at[pl.ds(c * CHUNK, CHUNK)]],
                              r_v.at[p], sems[p]).wait()

    def compute(c, p):
        @plsc.parallel_loop(0, CHUNK, 1, unroll=4)
        def row_body(i):
            fb = i * D
            acc = jnp.zeros((L,), jnp.float32)
            for g in range(GROUPS):
                sl = pl.ds(fb + g * L, L)
                rsl = pl.ds(g * L, L)
                acc = acc + s_v[p, sl] * r_v[p, i, rsl] * o_v[p, sl]
            part_v[i, :] = acc

        @plsc.parallel_loop(0, RG, 1, unroll=2)
        def tr_body(rg):
            rows = rg * L + lanes
            osum = jnp.zeros((L,), jnp.float32)
            for col in range(L):
                osum = osum + plsc.load_gather(
                    part_v, [rows, jnp.full((L,), col, jnp.int32)])
            out_v[pl.ds(c * CHUNK + rg * L, L)] = osum

    start(0, 0)
    start(1, 1)

    def pair_body(c2, carry):
        c0 = 2 * c2
        for p in range(2):
            c = c0 + p
            wait_chunk(c, p)
            compute(c, p)

            @pl.when(c + 2 < NCHUNK)
            def _(c=c, p=p):
                start(c + 2, p)

        return carry

    lax.fori_loop(0, NCHUNK // 2, pair_body, 0)

    pltpu.sync_copy(out_v, out_hbm.at[pl.ds(base, ROWS_PER_W)])


def kernel(subject_embeddings, object_embeddings, relations, relation_table):
    rel = relations.astype(jnp.int32)
    scores = _dist_mult_sc(subject_embeddings.reshape(B * D),
                           object_embeddings.reshape(B * D), rel,
                           relation_table)
    return scores.reshape(B, 1)

# --- scband reference (transcript-rebuilt; emitter-appended) ---
"""Pipeline reference for scband-dist-mult-decoder-36369783063043 (READ-ONLY COPY).

The authoritative reference and input builder live on the scoring server;
editing this copy changes nothing except your own understanding.
"""

import jax, jax.numpy as jnp
import numpy as np

B = 16384
D = 128
R = 1000

def setup_inputs(seed: int = 0) -> dict:
    key = jax.random.key(seed)
    k1, k2, k3, k4 = jax.random.split(key, 4)
    subject_embeddings = jax.random.normal(k1, (B, D), dtype=jnp.float32)
    object_embeddings = jax.random.normal(k2, (B, D), dtype=jnp.float32)
    relations = jax.random.randint(k3, (B,), 0, R, dtype=jnp.int64)
    # xavier_normal init for the relation embedding table
    std = float(np.sqrt(2.0 / (R + D)))
    relation_table = jax.random.normal(k4, (R, D), dtype=jnp.float32) * std
    return {
        "subject_embeddings": subject_embeddings,
        "object_embeddings": object_embeddings,
        "relations": relations,
        "relation_table": relation_table,
    }

def reference(subject_embeddings, object_embeddings, relations, relation_table):
    # dropout=0 -> identity
    relation_embeddings = jnp.take(relation_table, relations, axis=0)
    scores = jnp.sum(subject_embeddings * relation_embeddings * object_embeddings, axis=1, keepdims=True)
    return scores

if __name__ == "__main__":
    import jax
    _d = setup_inputs()
    print(jax.jit(kernel)(*tuple(_d.values())))

</pallas_src>

<mosaic_0001>
#map = affine_map<(d0, d1) -> (0)>
#map1 = affine_map<(d0, d1) -> (0, 0)>
module attributes {stable_mosaic.version = 14 : i64} {
  func.func @_dist_mult_sc(%arg0: i32, %arg1: i32, %arg2: memref<2097152xf32, #tpu.memory_space<hbm>>, %arg3: memref<2097152xf32, #tpu.memory_space<hbm>>, %arg4: memref<16384xi32, #tpu.memory_space<hbm>>, %arg5: memref<1000x128xf32, #tpu.memory_space<hbm>>, %arg6: memref<16384xf32, #tpu.memory_space<hbm>>, %arg7: memref<512xi32, #tpu.memory_space<vmem>>, %arg8: memref<2x8192xf32, #tpu.memory_space<vmem>>, %arg9: memref<2x8192xf32, #tpu.memory_space<vmem>>, %arg10: memref<2x64x128xf32, #tpu.memory_space<vmem>>, %arg11: memref<512xf32, #tpu.memory_space<vmem>>, %arg12: memref<64x16xf32, #tpu.memory_space<vmem>>, %arg13: memref<!tpu.dma_semaphore, #tpu.memory_space<semaphore_mem>>, %arg14: memref<!tpu.dma_semaphore, #tpu.memory_space<semaphore_mem>>) attributes {dimension_semantics = [#tpu.dimension_semantics<core_parallel>, #tpu.dimension_semantics<subcore_parallel>], iteration_bounds = array<i64: 2, 16>, scalar_prefetch = 0 : i64, scratch_operands = 8 : i64, tpu.core_type = #tpu.core_type<sc_vector_subcore>, window_params = [{transform_indices = #map}, {transform_indices = #map}, {transform_indices = #map}, {transform_indices = #map1}, {transform_indices = #map}]} {
    %mul3A = arith.constant 2 : i32
    %mul3A_0 = arith.muli %arg1, %mul3A : i32
    %add3A = arith.addi %mul3A_0, %arg0 : i32
    %mul3A_1 = arith.constant 512 : i32
    %mul3A_2 = arith.muli %add3A, %mul3A_1 : i32
    "tpu.region"() ({
      %run_scoped3A = tpu.sem_alloc : memref<!tpu.dma_semaphore, #tpu.memory_space<semaphore_mem>>
      %dma_start3A_71 = tpu.memref_slice %arg4[%mul3A_2] : memref<16384xi32, #tpu.memory_space<hbm>> -> memref<512xi32, #tpu.memory_space<hbm>>
      %dma_start3A_72 = tpu.memref_slice %arg4[%mul3A_2] : memref<16384xi32, #tpu.memory_space<hbm>> -> memref<512xi32, #tpu.memory_space<hbm>>
      tpu.enqueue_dma source(%dma_start3A_72 : memref<512xi32, #tpu.memory_space<hbm>>) target(%arg7 : memref<512xi32, #tpu.memory_space<vmem>>) target_semaphore(%run_scoped3A : memref<!tpu.dma_semaphore, #tpu.memory_space<semaphore_mem>>)
      %dma_wait3A = tpu.memref_slice %arg4[%mul3A_2] : memref<16384xi32, #tpu.memory_space<hbm>> -> memref<512xi32, #tpu.memory_space<hbm>>
      %dma_wait3A_73 = tpu.memref_slice %arg4[%mul3A_2] : memref<16384xi32, #tpu.memory_space<hbm>> -> memref<512xi32, #tpu.memory_space<hbm>>
      tpu.wait_dma2 semaphore(%run_scoped3A : memref<!tpu.dma_semaphore, #tpu.memory_space<semaphore_mem>>) src(%dma_wait3A_73 : memref<512xi32, #tpu.memory_space<hbm>>) dst(%arg7 : memref<512xi32, #tpu.memory_space<vmem>>)
      tpu.yield
    }) : () -> ()
    %iota3A = tpu.iota {dimensions = array<i32: 0>} : vector<16xi32>
    %add3A_3 = arith.constant 0 : i32
    %add3A_4 = arith.addi %mul3A_2, %add3A_3 : i32
    %mul3A_5 = arith.constant 128 : i32
    %mul3A_6 = arith.muli %add3A_4, %mul3A_5 : i32
    %dma_start3A = arith.constant 0 : i32
    %dma_start3A_7 = arith.constant 0 : i32
    %dma_start3A_8 = tpu.memref_slice %arg8[%dma_start3A, %dma_start3A_7] : memref<2x8192xf32, #tpu.memory_space<vmem>> -> memref<1x8192xf32, #tpu.memory_space<vmem>>
    %dma_start3A_9 = tpu.memref_squeeze %dma_start3A_8 : memref<1x8192xf32, #tpu.memory_space<vmem>> -> memref<8192xf32, #tpu.memory_space<vmem>>
    %dma_start3A_10 = tpu.memref_slice %arg2[%mul3A_6] : memref<2097152xf32, #tpu.memory_space<hbm>> -> memref<8192xf32, #tpu.memory_space<hbm>>
    %dma_start3A_11 = arith.constant 0 : i32
    %dma_start3A_12 = tpu.memref_slice %arg8[%dma_start3A, %dma_start3A_11] : memref<2x8192xf32, #tpu.memory_space<vmem>> -> memref<1x8192xf32, #tpu.memory_space<vmem>>
    %dma_start3A_13 = tpu.memref_squeeze %dma_start3A_12 : memref<1x8192xf32, #tpu.memory_space<vmem>> -> memref<8192xf32, #tpu.memory_space<vmem>>
    %dma_start3A_14 = tpu.memref_slice %arg2[%mul3A_6] : memref<2097152xf32, #tpu.memory_space<hbm>> -> memref<8192xf32, #tpu.memory_space<hbm>>
    tpu.enqueue_dma source(%dma_start3A_14 : memref<8192xf32, #tpu.memory_space<hbm>>) target(%dma_start3A_13 : memref<8192xf32, #tpu.memory_space<vmem>>) target_semaphore(%arg13 : memref<!tpu.dma_semaphore, #tpu.memory_space<semaphore_mem>>)
    %dma_start3A_15 = arith.constant 0 : i32
    %dma_start3A_16 = arith.constant 0 : i32
    %dma_start3A_17 = tpu.memref_slice %arg9[%dma_start3A_15, %dma_start3A_16] : memref<2x8192xf32, #tpu.memory_space<vmem>> -> memref<1x8192xf32, #tpu.memory_space<vmem>>
    %dma_start3A_18 = tpu.memref_squeeze %dma_start3A_17 : memref<1x8192xf32, #tpu.memory_space<vmem>> -> memref<8192xf32, #tpu.memory_space<vmem>>
    %dma_start3A_19 = tpu.memref_slice %arg3[%mul3A_6] : memref<2097152xf32, #tpu.memory_space<hbm>> -> memref<8192xf32, #tpu.memory_space<hbm>>
    %dma_start3A_20 = arith.constant 0 : i32
    %dma_start3A_21 = tpu.memref_slice %arg9[%dma_start3A_15, %dma_start3A_20] : memref<2x8192xf32, #tpu.memory_space<vmem>> -> memref<1x8192xf32, #tpu.memory_space<vmem>>
    %dma_start3A_22 = tpu.memref_squeeze %dma_start3A_21 : memref<1x8192xf32, #tpu.memory_space<vmem>> -> memref<8192xf32, #tpu.memory_space<vmem>>
    %dma_start3A_23 = tpu.memref_slice %arg3[%mul3A_6] : memref<2097152xf32, #tpu.memory_space<hbm>> -> memref<8192xf32, #tpu.memory_space<hbm>>
    tpu.enqueue_dma source(%dma_start3A_23 : memref<8192xf32, #tpu.memory_space<hbm>>) target(%dma_start3A_22 : memref<8192xf32, #tpu.memory_space<vmem>>) target_semaphore(%arg13 : memref<!tpu.dma_semaphore, #tpu.memory_space<semaphore_mem>>)
    %dma_start3A_24 = arith.constant 0 : i32
    %dma_start3A_25 = arith.constant 0 : i32
    %dma_start3A_26 = arith.constant 0 : i32
    %dma_start3A_27 = tpu.memref_slice %arg10[%dma_start3A_24, %dma_start3A_25, %dma_start3A_26] : memref<2x64x128xf32, #tpu.memory_space<vmem>> -> memref<1x64x128xf32, #tpu.memory_space<vmem>>
    %dma_start3A_28 = tpu.memref_squeeze %dma_start3A_27 : memref<1x64x128xf32, #tpu.memory_space<vmem>> -> memref<64x128xf32, #tpu.memory_space<vmem>>
    %dma_start3A_29 = arith.constant 0 : i32
    %dma_start3A_30 = tpu.memref_slice %arg7[%dma_start3A_29] : memref<512xi32, #tpu.memory_space<vmem>> -> memref<64xi32, #tpu.memory_space<vmem>>
    %dma_start3A_31 = arith.constant 0 : i32
    %dma_start3A_32 = arith.constant 0 : i32
    %dma_start3A_33 = tpu.memref_slice %arg5[%dma_start3A_31, %dma_start3A_32] : memref<1000x128xf32, #tpu.memory_space<hbm>> -> memref<1000x128xf32, #tpu.memory_space<hbm>>
    tpu.enqueue_indirect_dma source(%dma_start3A_33 : memref<1000x128xf32, #tpu.memory_space<hbm>>) target(%dma_start3A_28 : memref<64x128xf32, #tpu.memory_space<vmem>>) offsets(%dma_start3A_30 : memref<64xi32, #tpu.memory_space<vmem>>) semaphore(%arg13 : memref<!tpu.dma_semaphore, #tpu.memory_space<semaphore_mem>>)
    %add3A_34 = arith.constant 64 : i32
    %add3A_35 = arith.addi %mul3A_2, %add3A_34 : i32
    %mul3A_36 = arith.constant 128 : i32
    %mul3A_37 = arith.muli %add3A_35, %mul3A_36 : i32
    %dma_start3A_38 = arith.constant 1 : i32
    %dma_start3A_39 = arith.constant 0 : i32
    %dma_start3A_40 = tpu.memref_slice %arg8[%dma_start3A_38, %dma_start3A_39] : memref<2x8192xf32, #tpu.memory_space<vmem>> -> memref<1x8192xf32, #tpu.memory_space<vmem>>
    %dma_start3A_41 = tpu.memref_squeeze %dma_start3A_40 : memref<1x8192xf32, #tpu.memory_space<vmem>> -> memref<8192xf32, #tpu.memory_space<vmem>>
    %dma_start3A_42 = tpu.memref_slice %arg2[%mul3A_37] : memref<2097152xf32, #tpu.memory_space<hbm>> -> memref<8192xf32, #tpu.memory_space<hbm>>
    %dma_start3A_43 = arith.constant 0 : i32
    %dma_start3A_44 = tpu.memref_slice %arg8[%dma_start3A_38, %dma_start3A_43] : memref<2x8192xf32, #tpu.memory_space<vmem>> -> memref<1x8192xf32, #tpu.memory_space<vmem>>
    %dma_start3A_45 = tpu.memref_squeeze %dma_start3A_44 : memref<1x8192xf32, #tpu.memory_space<vmem>> -> memref<8192xf32, #tpu.memory_space<vmem>>
    %dma_start3A_46 = tpu.memref_slice %arg2[%mul3A_37] : memref<2097152xf32, #tpu.memory_space<hbm>> -> memref<8192xf32, #tpu.memory_space<hbm>>
    tpu.enqueue_dma source(%dma_start3A_46 : memref<8192xf32, #tpu.memory_space<hbm>>) target(%dma_start3A_45 : memref<8192xf32, #tpu.memory_space<vmem>>) target_semaphore(%arg14 : memref<!tpu.dma_semaphore, #tpu.memory_space<semaphore_mem>>)
    %dma_start3A_47 = arith.constant 1 : i32
    %dma_start3A_48 = arith.constant 0 : i32
    %dma_start3A_49 = tpu.memref_slice %arg9[%dma_start3A_47, %dma_start3A_48] : memref<2x8192xf32, #tpu.memory_space<vmem>> -> memref<1x8192xf32, #tpu.memory_space<vmem>>
    %dma_start3A_50 = tpu.memref_squeeze %dma_start3A_49 : memref<1x8192xf32, #tpu.memory_space<vmem>> -> memref<8192xf32, #tpu.memory_space<vmem>>
    %dma_start3A_51 = tpu.memref_slice %arg3[%mul3A_37] : memref<2097152xf32, #tpu.memory_space<hbm>> -> memref<8192xf32, #tpu.memory_space<hbm>>
    %dma_start3A_52 = arith.constant 0 : i32
    %dma_start3A_53 = tpu.memref_slice %arg9[%dma_start3A_47, %dma_start3A_52] : memref<2x8192xf32, #tpu.memory_space<vmem>> -> memref<1x8192xf32, #tpu.memory_space<vmem>>
    %dma_start3A_54 = tpu.memref_squeeze %dma_start3A_53 : memref<1x8192xf32, #tpu.memory_space<vmem>> -> memref<8192xf32, #tpu.memory_space<vmem>>
    %dma_start3A_55 = tpu.memref_slice %arg3[%mul3A_37] : memref<2097152xf32, #tpu.memory_space<hbm>> -> memref<8192xf32, #tpu.memory_space<hbm>>
    tpu.enqueue_dma source(%dma_start3A_55 : memref<8192xf32, #tpu.memory_space<hbm>>) target(%dma_start3A_54 : memref<8192xf32, #tpu.memory_space<vmem>>) target_semaphore(%arg14 : memref<!tpu.dma_semaphore, #tpu.memory_space<semaphore_mem>>)
    %dma_start3A_56 = arith.constant 1 : i32
    %dma_start3A_57 = arith.constant 0 : i32
    %dma_start3A_58 = arith.constant 0 : i32
    %dma_start3A_59 = tpu.memref_slice %arg10[%dma_start3A_56, %dma_start3A_57, %dma_start3A_58] : memref<2x64x128xf32, #tpu.memory_space<vmem>> -> memref<1x64x128xf32, #tpu.memory_space<vmem>>
    %dma_start3A_60 = tpu.memref_squeeze %dma_start3A_59 : memref<1x64x128xf32, #tpu.memory_space<vmem>> -> memref<64x128xf32, #tpu.memory_space<vmem>>
    %dma_start3A_61 = arith.constant 64 : i32
    %dma_start3A_62 = tpu.memref_slice %arg7[%dma_start3A_61] : memref<512xi32, #tpu.memory_space<vmem>> -> memref<64xi32, #tpu.memory_space<vmem>>
    %dma_start3A_63 = arith.constant 0 : i32
    %dma_start3A_64 = arith.constant 0 : i32
    %dma_start3A_65 = tpu.memref_slice %arg5[%dma_start3A_63, %dma_start3A_64] : memref<1000x128xf32, #tpu.memory_space<hbm>> -> memref<1000x128xf32, #tpu.memory_space<hbm>>
    tpu.enqueue_indirect_dma source(%dma_start3A_65 : memref<1000x128xf32, #tpu.memory_space<hbm>>) target(%dma_start3A_60 : memref<64x128xf32, #tpu.memory_space<vmem>>) offsets(%dma_start3A_62 : memref<64xi32, #tpu.memory_space<vmem>>) semaphore(%arg14 : memref<!tpu.dma_semaphore, #tpu.memory_space<semaphore_mem>>)
    %scan3A = arith.constant 0 : i32
    %scan3A_66 = arith.constant 0 : i32
    %scan3A_67 = arith.constant 4 : i32
    %scan3A_68 = arith.addi %scan3A_66, %scan3A_67 : i32
    %scan3A_69 = arith.constant 1 : i32
    scf.for %scan3A_71 = %scan3A_66 to %scan3A_68 step %scan3A_69  : i32 {
      %mul3A_72 = arith.constant 2 : i32
      %mul3A_73 = arith.muli %mul3A_72, %scan3A_71 : i32
      %add3A_74 = arith.constant 0 : i32
      %add3A_75 = arith.addi %mul3A_73, %add3A_74 : i32
      %mul3A_76 = arith.constant 64 : i32
      %mul3A_77 = arith.muli %add3A_75, %mul3A_76 : i32
      %add3A_78 = arith.addi %mul3A_2, %mul3A_77 : i32
      %mul3A_79 = arith.constant 128 : i32
      %mul3A_80 = arith.muli %add3A_78, %mul3A_79 : i32
      %dma_wait3A = arith.constant 0 : i32
      %dma_wait3A_81 = arith.constant 0 : i32
      %dma_wait3A_82 = tpu.memref_slice %arg8[%dma_wait3A, %dma_wait3A_81] : memref<2x8192xf32, #tpu.memory_space<vmem>> -> memref<1x8192xf32, #tpu.memory_space<vmem>>
      %dma_wait3A_83 = tpu.memref_squeeze %dma_wait3A_82 : memref<1x8192xf32, #tpu.memory_space<vmem>> -> memref<8192xf32, #tpu.memory_space<vmem>>
      %dma_wait3A_84 = tpu.memref_slice %arg2[%mul3A_80] : memref<2097152xf32, #tpu.memory_space<hbm>> -> memref<8192xf32, #tpu.memory_space<hbm>>
      %dma_wait3A_85 = arith.constant 0 : i32
      %dma_wait3A_86 = tpu.memref_slice %arg8[%dma_wait3A, %dma_wait3A_85] : memref<2x8192xf32, #tpu.memory_space<vmem>> -> memref<1x8192xf32, #tpu.memory_space<vmem>>
      %dma_wait3A_87 = tpu.memref_squeeze %dma_wait3A_86 : memref<1x8192xf32, #tpu.memory_space<vmem>> -> memref<8192xf32, #tpu.memory_space<vmem>>
      %dma_wait3A_88 = tpu.memref_slice %arg2[%mul3A_80] : memref<2097152xf32, #tpu.memory_space<hbm>> -> memref<8192xf32, #tpu.memory_space<hbm>>
      tpu.wait_dma2 semaphore(%arg13 : memref<!tpu.dma_semaphore, #tpu.memory_space<semaphore_mem>>) src(%dma_wait3A_88 : memref<8192xf32, #tpu.memory_space<hbm>>) dst(%dma_wait3A_87 : memref<8192xf32, #tpu.memory_space<vmem>>)
      %dma_wait3A_89 = arith.constant 0 : i32
      %dma_wait3A_90 = arith.constant 0 : i32
      %dma_wait3A_91 = tpu.memref_slice %arg9[%dma_wait3A_89, %dma_wait3A_90] : memref<2x8192xf32, #tpu.memory_space<vmem>> -> memref<1x8192xf32, #tpu.memory_space<vmem>>
      %dma_wait3A_92 = tpu.memref_squeeze %dma_wait3A_91 : memref<1x8192xf32, #tpu.memory_space<vmem>> -> memref<8192xf32, #tpu.memory_space<vmem>>
      %dma_wait3A_93 = tpu.memref_slice %arg3[%mul3A_80] : memref<2097152xf32, #tpu.memory_space<hbm>> -> memref<8192xf32, #tpu.memory_space<hbm>>
      %dma_wait3A_94 = arith.constant 0 : i32
      %dma_wait3A_95 = tpu.memref_slice %arg9[%dma_wait3A_89, %dma_wait3A_94] : memref<2x8192xf32, #tpu.memory_space<vmem>> -> memref<1x8192xf32, #tpu.memory_space<vmem>>
      %dma_wait3A_96 = tpu.memref_squeeze %dma_wait3A_95 : memref<1x8192xf32, #tpu.memory_space<vmem>> -> memref<8192xf32, #tpu.memory_space<vmem>>
      %dma_wait3A_97 = tpu.memref_slice %arg3[%mul3A_80] : memref<2097152xf32, #tpu.memory_space<hbm>> -> memref<8192xf32, #tpu.memory_space<hbm>>
      tpu.wait_dma2 semaphore(%arg13 : memref<!tpu.dma_semaphore, #tpu.memory_space<semaphore_mem>>) src(%dma_wait3A_97 : memref<8192xf32, #tpu.memory_space<hbm>>) dst(%dma_wait3A_96 : memref<8192xf32, #tpu.memory_space<vmem>>)
      %mul3A_98 = arith.constant 64 : i32
      %mul3A_99 = arith.muli %add3A_75, %mul3A_98 : i32
      %dma_wait3A_100 = arith.constant 0 : i32
      %dma_wait3A_101 = arith.constant 0 : i32
      %dma_wait3A_102 = arith.constant 0 : i32
      %dma_wait3A_103 = tpu.memref_slice %arg10[%dma_wait3A_100, %dma_wait3A_101, %dma_wait3A_102] : memref<2x64x128xf32, #tpu.memory_space<vmem>> -> memref<1x64x128xf32, #tpu.memory_space<vmem>>
      %dma_wait3A_104 = tpu.memref_squeeze %dma_wait3A_103 : memref<1x64x128xf32, #tpu.memory_space<vmem>> -> memref<64x128xf32, #tpu.memory_space<vmem>>
      %dma_wait3A_105 = tpu.memref_slice %arg7[%mul3A_99] : memref<512xi32, #tpu.memory_space<vmem>> -> memref<64xi32, #tpu.memory_space<vmem>>
      %dma_wait3A_106 = arith.constant 0 : i32
      %dma_wait3A_107 = arith.constant 0 : i32
      %dma_wait3A_108 = tpu.memref_slice %arg5[%dma_wait3A_106, %dma_wait3A_107] : memref<1000x128xf32, #tpu.memory_space<hbm>> -> memref<1000x128xf32, #tpu.memory_space<hbm>>
      tpu.wait_indirect_dma semaphore(%arg13 : memref<!tpu.dma_semaphore, #tpu.memory_space<semaphore_mem>>) src(%dma_wait3A_108 : memref<1000x128xf32, #tpu.memory_space<hbm>>) dst(%dma_wait3A_104 : memref<64x128xf32, #tpu.memory_space<vmem>>)
      %parallel_loop3A = arith.constant 0 : i32
      %parallel_loop3A_109 = arith.constant 64 : i32
      %parallel_loop3A_110 = arith.constant 1 : i32
      scf.for %parallel_loop3A_167 = %parallel_loop3A to %parallel_loop3A_109 step %parallel_loop3A_110  : i32 {
        %parallel_loop3A_168 = arith.constant 128 : i32
        %parallel_loop3A_169 = arith.muli %parallel_loop3A_167, %parallel_loop3A_168 : i32
        %parallel_loop3A_170 = arith.constant 0.000000e+00 : f32
        %parallel_loop3A_171 = vector.broadcast %parallel_loop3A_170 : f32 to vector<16xf32>
        %parallel_loop3A_172 = arith.constant 0 : i32
        %parallel_loop3A_173 = arith.addi %parallel_loop3A_169, %parallel_loop3A_172 : i32
        %parallel_loop3A_174 = arith.constant 0 : i32
        %parallel_loop3A_175 = arith.index_cast %parallel_loop3A_174 : i32 to index
        %parallel_loop3A_176 = arith.index_cast %parallel_loop3A_173 : i32 to index
        %parallel_loop3A_177 = tpu.vector_load %arg8[%parallel_loop3A_175, %parallel_loop3A_176] {strides = array<i32>} : memref<2x8192xf32, #tpu.memory_space<vmem>>, vector<16xf32>,
        %parallel_loop3A_178 = arith.constant 0 : i32
        %parallel_loop3A_179 = arith.index_cast %parallel_loop3A_178 : i32 to index
        %parallel_loop3A_180 = arith.index_cast %parallel_loop3A_167 : i32 to index
        %parallel_loop3A_181 = arith.constant 0 : index
        %parallel_loop3A_182 = tpu.vector_load %arg10[%parallel_loop3A_179, %parallel_loop3A_180, %parallel_loop3A_181] {strides = array<i32>} : memref<2x64x128xf32, #tpu.memory_space<vmem>>, vector<16xf32>,
        %parallel_loop3A_183 = arith.mulf %parallel_loop3A_177, %parallel_loop3A_182 : vector<16xf32>
        %parallel_loop3A_184 = arith.constant 0 : i32
        %parallel_loop3A_185 = arith.index_cast %parallel_loop3A_184 : i32 to index
        %parallel_loop3A_186 = arith.index_cast %parallel_loop3A_173 : i32 to index
        %parallel_loop3A_187 = tpu.vector_load %arg9[%parallel_loop3A_185, %parallel_loop3A_186] {strides = array<i32>} : memref<2x8192xf32, #tpu.memory_space<vmem>>, vector<16xf32>,
        %parallel_loop3A_188 = arith.mulf %parallel_loop3A_183, %parallel_loop3A_187 : vector<16xf32>
        %parallel_loop3A_189 = arith.addf %parallel_loop3A_171, %parallel_loop3A_188 : vector<16xf32>
        %parallel_loop3A_190 = arith.constant 16 : i32
        %parallel_loop3A_191 = arith.addi %parallel_loop3A_169, %parallel_loop3A_190 : i32
        %parallel_loop3A_192 = arith.constant 0 : i32
        %parallel_loop3A_193 = arith.index_cast %parallel_loop3A_192 : i32 to index
        %parallel_loop3A_194 = arith.index_cast %parallel_loop3A_191 : i32 to index
        %parallel_loop3A_195 = tpu.vector_load %arg8[%parallel_loop3A_193, %parallel_loop3A_194] {strides = array<i32>} : memref<2x8192xf32, #tpu.memory_space<vmem>>, vector<16xf32>,
        %parallel_loop3A_196 = arith.constant 0 : i32
        %parallel_loop3A_197 = arith.index_cast %parallel_loop3A_196 : i32 to index
        %parallel_loop3A_198 = arith.index_cast %parallel_loop3A_167 : i32 to index
        %parallel_loop3A_199 = arith.constant 16 : index
        %parallel_loop3A_200 = tpu.vector_load %arg10[%parallel_loop3A_197, %parallel_loop3A_198, %parallel_loop3A_199] {strides = array<i32>} : memref<2x64x128xf32, #tpu.memory_space<vmem>>, vector<16xf32>,
        %parallel_loop3A_201 = arith.mulf %parallel_loop3A_195, %parallel_loop3A_200 : vector<16xf32>
        %parallel_loop3A_202 = arith.constant 0 : i32
        %parallel_loop3A_203 = arith.index_cast %parallel_loop3A_202 : i32 to index
        %parallel_loop3A_204 = arith.index_cast %parallel_loop3A_191 : i32 to index
        %parallel_loop3A_205 = tpu.vector_load %arg9[%parallel_loop3A_203, %parallel_loop3A_204] {strides = array<i32>} : memref<2x8192xf32, #tpu.memory_space<vmem>>, vector<16xf32>,
        %parallel_loop3A_206 = arith.mulf %parallel_loop3A_201, %parallel_loop3A_205 : vector<16xf32>
        %parallel_loop3A_207 = arith.addf %parallel_loop3A_189, %parallel_loop3A_206 : vector<16xf32>
        %parallel_loop3A_208 = arith.constant 32 : i32
        %parallel_loop3A_209 = arith.addi %parallel_loop3A_169, %parallel_loop3A_208 : i32
        %parallel_loop3A_210 = arith.constant 0 : i32
        %parallel_loop3A_211 = arith.index_cast %parallel_loop3A_210 : i32 to index
        %parallel_loop3A_212 = arith.index_cast %parallel_loop3A_209 : i32 to index
        %parallel_loop3A_213 = tpu.vector_load %arg8[%parallel_loop3A_211, %parallel_loop3A_212] {strides = array<i32>} : memref<2x8192xf32, #tpu.memory_space<vmem>>, vector<16xf32>,
        %parallel_loop3A_214 = arith.constant 0 : i32
        %parallel_loop3A_215 = arith.index_cast %parallel_loop3A_214 : i32 to index
        %parallel_loop3A_216 = arith.index_cast %parallel_loop3A_167 : i32 to index
        %parallel_loop3A_217 = arith.constant 32 : index
        %parallel_loop3A_218 = tpu.vector_load %arg10[%parallel_loop3A_215, %parallel_loop3A_216, %parallel_loop3A_217] {strides = array<i32>} : memref<2x64x128xf32, #tpu.memory_space<vmem>>, vector<16xf32>,
        %parallel_loop3A_219 = arith.mulf %parallel_loop3A_213, %parallel_loop3A_218 : vector<16xf32>
        %parallel_loop3A_220 = arith.constant 0 : i32
        %parallel_loop3A_221 = arith.index_cast %parallel_loop3A_220 : i32 to index
        %parallel_loop3A_222 = arith.index_cast %parallel_loop3A_209 : i32 to index
        %parallel_loop3A_223 = tpu.vector_load %arg9[%parallel_loop3A_221, %parallel_loop3A_222] {strides = array<i32>} : memref<2x8192xf32, #tpu.memory_space<vmem>>, vector<16xf32>,
        %parallel_loop3A_224 = arith.mulf %parallel_loop3A_219, %parallel_loop3A_223 : vector<16xf32>
        %parallel_loop3A_225 = arith.addf %parallel_loop3A_207, %parallel_loop3A_224 : vector<16xf32>
        %parallel_loop3A_226 = arith.constant 48 : i32
        %parallel_loop3A_227 = arith.addi %parallel_loop3A_169, %parallel_loop3A_226 : i32
        %parallel_loop3A_228 = arith.constant 0 : i32
        %parallel_loop3A_229 = arith.index_cast %parallel_loop3A_228 : i32 to index
        %parallel_loop3A_230 = arith.index_cast %parallel_loop3A_227 : i32 to index
        %parallel_loop3A_231 = tpu.vector_load %arg8[%parallel_loop3A_229, %parallel_loop3A_230] {strides = array<i32>} : memref<2x8192xf32, #tpu.memory_space<vmem>>, vector<16xf32>,
        %parallel_loop3A_232 = arith.constant 0 : i32
        %parallel_loop3A_233 = arith.index_cast %parallel_loop3A_232 : i32 to index
        %parallel_loop3A_234 = arith.index_cast %parallel_loop3A_167 : i32 to index
        %parallel_loop3A_235 = arith.constant 48 : index
        %parallel_loop3A_236 = tpu.vector_load %arg10[%parallel_loop3A_233, %parallel_loop3A_234, %parallel_loop3A_235] {strides = array<i32>} : memref<2x64x128xf32, #tpu.memory_space<vmem>>, vector<16xf32>,
        %parallel_loop3A_237 = arith.mulf %parallel_loop3A_231, %parallel_loop3A_236 : vector<16xf32>
        %parallel_loop3A_238 = arith.constant 0 : i32
        %parallel_loop3A_239 = arith.index_cast %parallel_loop3A_238 : i32 to index
        %parallel_loop3A_240 = arith.index_cast %parallel_loop3A_227 : i32 to index
        %parallel_loop3A_241 = tpu.vector_load %arg9[%parallel_loop3A_239, %parallel_loop3A_240] {strides = array<i32>} : memref<2x8192xf32, #tpu.memory_space<vmem>>, vector<16xf32>,
        %parallel_loop3A_242 = arith.mulf %parallel_loop3A_237, %parallel_loop3A_241 : vector<16xf32>
        %parallel_loop3A_243 = arith.addf %parallel_loop3A_225, %parallel_loop3A_242 : vector<16xf32>
        %parallel_loop3A_244 = arith.constant 64 : i32
        %parallel_loop3A_245 = arith.addi %parallel_loop3A_169, %parallel_loop3A_244 : i32
        %parallel_loop3A_246 = arith.constant 0 : i32
        %parallel_loop3A_247 = arith.index_cast %parallel_loop3A_246 : i32 to index
        %parallel_loop3A_248 = arith.index_cast %parallel_loop3A_245 : i32 to index
        %parallel_loop3A_249 = tpu.vector_load %arg8[%parallel_loop3A_247, %parallel_loop3A_248] {strides = array<i32>} : memref<2x8192xf32, #tpu.memory_space<vmem>>, vector<16xf32>,
        %parallel_loop3A_250 = arith.constant 0 : i32
        %parallel_loop3A_251 = arith.index_cast %parallel_loop3A_250 : i32 to index
        %parallel_loop3A_252 = arith.index_cast %parallel_loop3A_167 : i32 to index
        %parallel_loop3A_253 = arith.constant 64 : index
        %parallel_loop3A_254 = tpu.vector_load %arg10[%parallel_loop3A_251, %parallel_loop3A_252, %parallel_loop3A_253] {strides = array<i32>} : memref<2x64x128xf32, #tpu.memory_space<vmem>>, vector<16xf32>,
        %parallel_loop3A_255 = arith.mulf %parallel_loop3A_249, %parallel_loop3A_254 : vector<16xf32>
        %parallel_loop3A_256 = arith.constant 0 : i32
        %parallel_loop3A_257 = arith.index_cast %parallel_loop3A_256 : i32 to index
        %parallel_loop3A_258 = arith.index_cast %parallel_loop3A_245 : i32 to index
        %parallel_loop3A_259 = tpu.vector_load %arg9[%parallel_loop3A_257, %parallel_loop3A_258] {strides = array<i32>} : memref<2x8192xf32, #tpu.memory_space<vmem>>, vector<16xf32>,
        %parallel_loop3A_260 = arith.mulf %parallel_loop3A_255, %parallel_loop3A_259 : vector<16xf32>
        %parallel_loop3A_261 = arith.addf %parallel_loop3A_243, %parallel_loop3A_260 : vector<16xf32>
        %parallel_loop3A_262 = arith.constant 80 : i32
        %parallel_loop3A_263 = arith.addi %parallel_loop3A_169, %parallel_loop3A_262 : i32
        %parallel_loop3A_264 = arith.constant 0 : i32
        %parallel_loop3A_265 = arith.index_cast %parallel_loop3A_264 : i32 to index
        %parallel_loop3A_266 = arith.index_cast %parallel_loop3A_263 : i32 to index
        %parallel_loop3A_267 = tpu.vector_load %arg8[%parallel_loop3A_265, %parallel_loop3A_266] {strides = array<i32>} : memref<2x8192xf32, #tpu.memory_space<vmem>>, vector<16xf32>,
        %parallel_loop3A_268 = arith.constant 0 : i32
        %parallel_loop3A_269 = arith.index_cast %parallel_loop3A_268 : i32 to index
        %parallel_loop3A_270 = arith.index_cast %parallel_loop3A_167 : i32 to index
        %parallel_loop3A_271 = arith.constant 80 : index
        %parallel_loop3A_272 = tpu.vector_load %arg10[%parallel_loop3A_269, %parallel_loop3A_270, %parallel_loop3A_271] {strides = array<i32>} : memref<2x64x128xf32, #tpu.memory_space<vmem>>, vector<16xf32>,
        %parallel_loop3A_273 = arith.mulf %parallel_loop3A_267, %parallel_loop3A_272 : vector<16xf32>
        %parallel_loop3A_274 = arith.constant 0 : i32
        %parallel_loop3A_275 = arith.index_cast %parallel_loop3A_274 : i32 to index
        %parallel_loop3A_276 = arith.index_cast %parallel_loop3A_263 : i32 to index
        %parallel_loop3A_277 = tpu.vector_load %arg9[%parallel_loop3A_275, %parallel_loop3A_276] {strides = array<i32>} : memref<2x8192xf32, #tpu.memory_space<vmem>>, vector<16xf32>,
        %parallel_loop3A_278 = arith.mulf %parallel_loop3A_273, %parallel_loop3A_277 : vector<16xf32>
        %parallel_loop3A_279 = arith.addf %parallel_loop3A_261, %parallel_loop3A_278 : vector<16xf32>
        %parallel_loop3A_280 = arith.constant 96 : i32
        %parallel_loop3A_281 = arith.addi %parallel_loop3A_169, %parallel_loop3A_280 : i32
        %parallel_loop3A_282 = arith.constant 0 : i32
        %parallel_loop3A_283 = arith.index_cast %parallel_loop3A_282 : i32 to index
        %parallel_loop3A_284 = arith.index_cast %parallel_loop3A_281 : i32 to index
        %parallel_loop3A_285 = tpu.vector_load %arg8[%parallel_loop3A_283, %parallel_loop3A_284] {strides = array<i32>} : memref<2x8192xf32, #tpu.memory_space<vmem>>, vector<16xf32>,
        %parallel_loop3A_286 = arith.constant 0 : i32
        %parallel_loop3A_287 = arith.index_cast %parallel_loop3A_286 : i32 to index
        %parallel_loop3A_288 = arith.index_cast %parallel_loop3A_167 : i32 to index
        %parallel_loop3A_289 = arith.constant 96 : index
        %parallel_loop3A_290 = tpu.vector_load %arg10[%parallel_loop3A_287, %parallel_loop3A_288, %parallel_loop3A_289] {strides = array<i32>} : memref<2x64x128xf32, #tpu.memory_space<vmem>>, vector<16xf32>,
        %parallel_loop3A_291 = arith.mulf %parallel_loop3A_285, %parallel_loop3A_290 : vector<16xf32>
        %parallel_loop3A_292 = arith.constant 0 : i32
        %parallel_loop3A_293 = arith.index_cast %parallel_loop3A_292 : i32 to index
        %parallel_loop3A_294 = arith.index_cast %parallel_loop3A_281 : i32 to index
        %parallel_loop3A_295 = tpu.vector_load %arg9[%parallel_loop3A_293, %parallel_loop3A_294] {strides = array<i32>} : memref<2x8192xf32, #tpu.memory_space<vmem>>, vector<16xf32>,
        %parallel_loop3A_296 = arith.mulf %parallel_loop3A_291, %parallel_loop3A_295 : vector<16xf32>
        %parallel_loop3A_297 = arith.addf %parallel_loop3A_279, %parallel_loop3A_296 : vector<16xf32>
        %parallel_loop3A_298 = arith.constant 112 : i32
        %parallel_loop3A_299 = arith.addi %parallel_loop3A_169, %parallel_loop3A_298 : i32
        %parallel_loop3A_300 = arith.constant 0 : i32
        %parallel_loop3A_301 = arith.index_cast %parallel_loop3A_300 : i32 to index
        %parallel_loop3A_302 = arith.index_cast %parallel_loop3A_299 : i32 to index
        %parallel_loop3A_303 = tpu.vector_load %arg8[%parallel_loop3A_301, %parallel_loop3A_302] {strides = array<i32>} : memref<2x8192xf32, #tpu.memory_space<vmem>>, vector<16xf32>,
        %parallel_loop3A_304 = arith.constant 0 : i32
        %parallel_loop3A_305 = arith.index_cast %parallel_loop3A_304 : i32 to index
        %parallel_loop3A_306 = arith.index_cast %parallel_loop3A_167 : i32 to index
        %parallel_loop3A_307 = arith.constant 112 : index
        %parallel_loop3A_308 = tpu.vector_load %arg10[%parallel_loop3A_305, %parallel_loop3A_306, %parallel_loop3A_307] {strides = array<i32>} : memref<2x64x128xf32, #tpu.memory_space<vmem>>, vector<16xf32>,
        %parallel_loop3A_309 = arith.mulf %parallel_loop3A_303, %parallel_loop3A_308 : vector<16xf32>
        %parallel_loop3A_310 = arith.constant 0 : i32
        %parallel_loop3A_311 = arith.index_cast %parallel_loop3A_310 : i32 to index
        %parallel_loop3A_312 = arith.index_cast %parallel_loop3A_299 : i32 to index
        %parallel_loop3A_313 = tpu.vector_load %arg9[%parallel_loop3A_311, %parallel_loop3A_312] {strides = array<i32>} : memref<2x8192xf32, #tpu.memory_space<vmem>>, vector<16xf32>,
        %parallel_loop3A_314 = arith.mulf %parallel_loop3A_309, %parallel_loop3A_313 : vector<16xf32>
        %parallel_loop3A_315 = arith.addf %parallel_loop3A_297, %parallel_loop3A_314 : vector<16xf32>
        %parallel_loop3A_316 = arith.index_cast %parallel_loop3A_167 : i32 to index
        %parallel_loop3A_317 = arith.constant 0 : index
        %parallel_loop3A_318 = tpu.vector_load %arg12[%parallel_loop3A_316, %parallel_loop3A_317] {strides = array<i32>} : memref<64x16xf32, #tpu.memory_space<vmem>>, vector<16xf32>,
        tpu.vector_store %arg12[%parallel_loop3A_316, %parallel_loop3A_317], %parallel_loop3A_315 {strides = array<i32>} : memref<64x16xf32, #tpu.memory_space<vmem>>, vector<16xf32>,
      } {sc.loop_unroll_factor = 4 : i64, sc.parallel_access}
      %parallel_loop3A_111 = arith.constant 0 : i32
      %parallel_loop3A_112 = arith.constant 4 : i32
      %parallel_loop3A_113 = arith.constant 1 : i32
      scf.for %parallel_loop3A_167 = %parallel_loop3A_111 to %parallel_loop3A_112 step %parallel_loop3A_113  : i32 {
        %parallel_loop3A_168 = arith.constant 16 : i32
        %parallel_loop3A_169 = arith.muli %parallel_loop3A_167, %parallel_loop3A_168 : i32
        %parallel_loop3A_170 = vector.broadcast %parallel_loop3A_169 : i32 to vector<16xi32>
        %parallel_loop3A_171 = arith.addi %parallel_loop3A_170, %iota3A : vector<16xi32>
        %parallel_loop3A_172 = arith.constant 0.000000e+00 : f32
        %parallel_loop3A_173 = vector.broadcast %parallel_loop3A_172 : f32 to vector<16xf32>
        %parallel_loop3A_174 = arith.constant 0 : i32
        %parallel_loop3A_175 = vector.broadcast %parallel_loop3A_174 : i32 to vector<16xi32>
        %parallel_loop3A_176 = tpu.vector_load_idx %arg12[%parallel_loop3A_171, %parallel_loop3A_175] : memref<64x16xf32, #tpu.memory_space<vmem>>[vector<16xi32>, vector<16xi32>], vector<16xf32>,
        %parallel_loop3A_177 = arith.addf %parallel_loop3A_173, %parallel_loop3A_176 : vector<16xf32>
        %parallel_loop3A_178 = arith.constant 1 : i32
        %parallel_loop3A_179 = vector.broadcast %parallel_loop3A_178 : i32 to vector<16xi32>
        %parallel_loop3A_180 = tpu.vector_load_idx %arg12[%parallel_loop3A_171, %parallel_loop3A_179] : memref<64x16xf32, #tpu.memory_space<vmem>>[vector<16xi32>, vector<16xi32>], vector<16xf32>,
        %parallel_loop3A_181 = arith.addf %parallel_loop3A_177, %parallel_loop3A_180 : vector<16xf32>
        %parallel_loop3A_182 = arith.constant 2 : i32
        %parallel_loop3A_183 = vector.broadcast %parallel_loop3A_182 : i32 to vector<16xi32>
        %parallel_loop3A_184 = tpu.vector_load_idx %arg12[%parallel_loop3A_171, %parallel_loop3A_183] : memref<64x16xf32, #tpu.memory_space<vmem>>[vector<16xi32>, vector<16xi32>], vector<16xf32>,
        %parallel_loop3A_185 = arith.addf %parallel_loop3A_181, %parallel_loop3A_184 : vector<16xf32>
        %parallel_loop3A_186 = arith.constant 3 : i32
        %parallel_loop3A_187 = vector.broadcast %parallel_loop3A_186 : i32 to vector<16xi32>
        %parallel_loop3A_188 = tpu.vector_load_idx %arg12[%parallel_loop3A_171, %parallel_loop3A_187] : memref<64x16xf32, #tpu.memory_space<vmem>>[vector<16xi32>, vector<16xi32>], vector<16xf32>,
        %parallel_loop3A_189 = arith.addf %parallel_loop3A_185, %parallel_loop3A_188 : vector<16xf32>
        %parallel_loop3A_190 = arith.constant 4 : i32
        %parallel_loop3A_191 = vector.broadcast %parallel_loop3A_190 : i32 to vector<16xi32>
        %parallel_loop3A_192 = tpu.vector_load_idx %arg12[%parallel_loop3A_171, %parallel_loop3A_191] : memref<64x16xf32, #tpu.memory_space<vmem>>[vector<16xi32>, vector<16xi32>], vector<16xf32>,
        %parallel_loop3A_193 = arith.addf %parallel_loop3A_189, %parallel_loop3A_192 : vector<16xf32>
        %parallel_loop3A_194 = arith.constant 5 : i32
        %parallel_loop3A_195 = vector.broadcast %parallel_loop3A_194 : i32 to vector<16xi32>
        %parallel_loop3A_196 = tpu.vector_load_idx %arg12[%parallel_loop3A_171, %parallel_loop3A_195] : memref<64x16xf32, #tpu.memory_space<vmem>>[vector<16xi32>, vector<16xi32>], vector<16xf32>,
        %parallel_loop3A_197 = arith.addf %parallel_loop3A_193, %parallel_loop3A_196 : vector<16xf32>
        %parallel_loop3A_198 = arith.constant 6 : i32
        %parallel_loop3A_199 = vector.broadcast %parallel_loop3A_198 : i32 to vector<16xi32>
        %parallel_loop3A_200 = tpu.vector_load_idx %arg12[%parallel_loop3A_171, %parallel_loop3A_199] : memref<64x16xf32, #tpu.memory_space<vmem>>[vector<16xi32>, vector<16xi32>], vector<16xf32>,
        %parallel_loop3A_201 = arith.addf %parallel_loop3A_197, %parallel_loop3A_200 : vector<16xf32>
        %parallel_loop3A_202 = arith.constant 7 : i32
        %parallel_loop3A_203 = vector.broadcast %parallel_loop3A_202 : i32 to vector<16xi32>
        %parallel_loop3A_204 = tpu.vector_load_idx %arg12[%parallel_loop3A_171, %parallel_loop3A_203] : memref<64x16xf32, #tpu.memory_space<vmem>>[vector<16xi32>, vector<16xi32>], vector<16xf32>,
        %parallel_loop3A_205 = arith.addf %parallel_loop3A_201, %parallel_loop3A_204 : vector<16xf32>
        %parallel_loop3A_206 = arith.constant 8 : i32
        %parallel_loop3A_207 = vector.broadcast %parallel_loop3A_206 : i32 to vector<16xi32>
        %parallel_loop3A_208 = tpu.vector_load_idx %arg12[%parallel_loop3A_171, %parallel_loop3A_207] : memref<64x16xf32, #tpu.memory_space<vmem>>[vector<16xi32>, vector<16xi32>], vector<16xf32>,
        %parallel_loop3A_209 = arith.addf %parallel_loop3A_205, %parallel_loop3A_208 : vector<16xf32>
        %parallel_loop3A_210 = arith.constant 9 : i32
        %parallel_loop3A_211 = vector.broadcast %parallel_loop3A_210 : i32 to vector<16xi32>
        %parallel_loop3A_212 = tpu.vector_load_idx %arg12[%parallel_loop3A_171, %parallel_loop3A_211] : memref<64x16xf32, #tpu.memory_space<vmem>>[vector<16xi32>, vector<16xi32>], vector<16xf32>,
        %parallel_loop3A_213 = arith.addf %parallel_loop3A_209, %parallel_loop3A_212 : vector<16xf32>
        %parallel_loop3A_214 = arith.constant 10 : i32
        %parallel_loop3A_215 = vector.broadcast %parallel_loop3A_214 : i32 to vector<16xi32>
        %parallel_loop3A_216 = tpu.vector_load_idx %arg12[%parallel_loop3A_171, %parallel_loop3A_215] : memref<64x16xf32, #tpu.memory_space<vmem>>[vector<16xi32>, vector<16xi32>], vector<16xf32>,
        %parallel_loop3A_217 = arith.addf %parallel_loop3A_213, %parallel_loop3A_216 : vector<16xf32>
        %parallel_loop3A_218 = arith.constant 11 : i32
        %parallel_loop3A_219 = vector.broadcast %parallel_loop3A_218 : i32 to vector<16xi32>
        %parallel_loop3A_220 = tpu.vector_load_idx %arg12[%parallel_loop3A_171, %parallel_loop3A_219] : memref<64x16xf32, #tpu.memory_space<vmem>>[vector<16xi32>, vector<16xi32>], vector<16xf32>,
        %parallel_loop3A_221 = arith.addf %parallel_loop3A_217, %parallel_loop3A_220 : vector<16xf32>
        %parallel_loop3A_222 = arith.constant 12 : i32
        %parallel_loop3A_223 = vector.broadcast %parallel_loop3A_222 : i32 to vector<16xi32>
        %parallel_loop3A_224 = tpu.vector_load_idx %arg12[%parallel_loop3A_171, %parallel_loop3A_223] : memref<64x16xf32, #tpu.memory_space<vmem>>[vector<16xi32>, vector<16xi32>], vector<16xf32>,
        %parallel_loop3A_225 = arith.addf %parallel_loop3A_221, %parallel_loop3A_224 : vector<16xf32>
        %parallel_loop3A_226 = arith.constant 13 : i32
        %parallel_loop3A_227 = vector.broadcast %parallel_loop3A_226 : i32 to vector<16xi32>
        %parallel_loop3A_228 = tpu.vector_load_idx %arg12[%parallel_loop3A_171, %parallel_loop3A_227] : memref<64x16xf32, #tpu.memory_space<vmem>>[vector<16xi32>, vector<16xi32>], vector<16xf32>,
        %parallel_loop3A_229 = arith.addf %parallel_loop3A_225, %parallel_loop3A_228 : vector<16xf32>
        %parallel_loop3A_230 = arith.constant 14 : i32
        %parallel_loop3A_231 = vector.broadcast %parallel_loop3A_230 : i32 to vector<16xi32>
        %parallel_loop3A_232 = tpu.vector_load_idx %arg12[%parallel_loop3A_171, %parallel_loop3A_231] : memref<64x16xf32, #tpu.memory_space<vmem>>[vector<16xi32>, vector<16xi32>], vector<16xf32>,
        %parallel_loop3A_233 = arith.addf %parallel_loop3A_229, %parallel_loop3A_232 : vector<16xf32>
        %parallel_loop3A_234 = arith.constant 15 : i32
        %parallel_loop3A_235 = vector.broadcast %parallel_loop3A_234 : i32 to vector<16xi32>
        %parallel_loop3A_236 = tpu.vector_load_idx %arg12[%parallel_loop3A_171, %parallel_loop3A_235] : memref<64x16xf32, #tpu.memory_space<vmem>>[vector<16xi32>, vector<16xi32>], vector<16xf32>,
        %parallel_loop3A_237 = arith.addf %parallel_loop3A_233, %parallel_loop3A_236 : vector<16xf32>
        %parallel_loop3A_238 = arith.constant 64 : i32
        %parallel_loop3A_239 = arith.muli %add3A_75, %parallel_loop3A_238 : i32
        %parallel_loop3A_240 = arith.constant 16 : i32
        %parallel_loop3A_241 = arith.muli %parallel_loop3A_167, %parallel_loop3A_240 : i32
        %parallel_loop3A_242 = arith.addi %parallel_loop3A_239, %parallel_loop3A_241 : i32
        %parallel_loop3A_243 = arith.index_cast %parallel_loop3A_242 : i32 to index
        %parallel_loop3A_244 = tpu.vector_load %arg11[%parallel_loop3A_243] {strides = array<i32>} : memref<512xf32, #tpu.memory_space<vmem>>, vector<16xf32>,
        tpu.vector_store %arg11[%parallel_loop3A_243], %parallel_loop3A_237 {strides = array<i32>} : memref<512xf32, #tpu.memory_space<vmem>>, vector<16xf32>,
      } {sc.loop_unroll_factor = 2 : i64, sc.parallel_access}
      %add3A_114 = arith.constant 2 : i32
      %add3A_115 = arith.addi %add3A_75, %add3A_114 : i32
      %lt3A = arith.constant 8 : i32
      %lt3A_116 = arith.cmpi slt, %add3A_115, %lt3A : i32
      %convert_element_type3A = arith.extui %lt3A_116 : i1 to i32
      %cond3A = arith.constant 0 : i32
      %cond3A_117 = arith.cmpi ne, %convert_element_type3A, %cond3A : i32
      scf.if %cond3A_117 {
        %add3A_167 = arith.constant 2 : i32
        %add3A_168 = arith.addi %add3A_75, %add3A_167 : i32
        %mul3A_169 = arith.constant 64 : i32
        %mul3A_170 = arith.muli %add3A_168, %mul3A_169 : i32
        %add3A_171 = arith.addi %mul3A_2, %mul3A_170 : i32
        %mul3A_172 = arith.constant 128 : i32
        %mul3A_173 = arith.muli %add3A_171, %mul3A_172 : i32
        %dma_start3A_174 = arith.constant 0 : i32
        %dma_start3A_175 = arith.constant 0 : i32
        %dma_start3A_176 = tpu.memref_slice %arg8[%dma_start3A_174, %dma_start3A_175] : memref<2x8192xf32, #tpu.memory_space<vmem>> -> memref<1x8192xf32, #tpu.memory_space<vmem>>
        %dma_start3A_177 = tpu.memref_squeeze %dma_start3A_176 : memref<1x8192xf32, #tpu.memory_space<vmem>> -> memref<8192xf32, #tpu.memory_space<vmem>>
        %dma_start3A_178 = tpu.memref_slice %arg2[%mul3A_173] : memref<2097152xf32, #tpu.memory_space<hbm>> -> memref<8192xf32, #tpu.memory_space<hbm>>
        %dma_start3A_179 = arith.constant 0 : i32
        %dma_start3A_180 = tpu.memref_slice %arg8[%dma_start3A_174, %dma_start3A_179] : memref<2x8192xf32, #tpu.memory_space<vmem>> -> memref<1x8192xf32, #tpu.memory_space<vmem>>
        %dma_start3A_181 = tpu.memref_squeeze %dma_start3A_180 : memref<1x8192xf32, #tpu.memory_space<vmem>> -> memref<8192xf32, #tpu.memory_space<vmem>>
        %dma_start3A_182 = tpu.memref_slice %arg2[%mul3A_173] : memref<2097152xf32, #tpu.memory_space<hbm>> -> memref<8192xf32, #tpu.memory_space<hbm>>
        tpu.enqueue_dma source(%dma_start3A_182 : memref<8192xf32, #tpu.memory_space<hbm>>) target(%dma_start3A_181 : memref<8192xf32, #tpu.memory_space<vmem>>) target_semaphore(%arg13 : memref<!tpu.dma_semaphore, #tpu.memory_space<semaphore_mem>>)
        %dma_start3A_183 = arith.constant 0 : i32
        %dma_start3A_184 = arith.constant 0 : i32
        %dma_start3A_185 = tpu.memref_slice %arg9[%dma_start3A_183, %dma_start3A_184] : memref<2x8192xf32, #tpu.memory_space<vmem>> -> memref<1x8192xf32, #tpu.memory_space<vmem>>
        %dma_start3A_186 = tpu.memref_squeeze %dma_start3A_185 : memref<1x8192xf32, #tpu.memory_space<vmem>> -> memref<8192xf32, #tpu.memory_space<vmem>>
        %dma_start3A_187 = tpu.memref_slice %arg3[%mul3A_173] : memref<2097152xf32, #tpu.memory_space<hbm>> -> memref<8192xf32, #tpu.memory_space<hbm>>
        %dma_start3A_188 = arith.constant 0 : i32
        %dma_start3A_189 = tpu.memref_slice %arg9[%dma_start3A_183, %dma_start3A_188] : memref<2x8192xf32, #tpu.memory_space<vmem>> -> memref<1x8192xf32, #tpu.memory_space<vmem>>
        %dma_start3A_190 = tpu.memref_squeeze %dma_start3A_189 : memref<1x8192xf32, #tpu.memory_space<vmem>> -> memref<8192xf32, #tpu.memory_space<vmem>>
        %dma_start3A_191 = tpu.memref_slice %arg3[%mul3A_173] : memref<2097152xf32, #tpu.memory_space<hbm>> -> memref<8192xf32, #tpu.memory_space<hbm>>
        tpu.enqueue_dma source(%dma_start3A_191 : memref<8192xf32, #tpu.memory_space<hbm>>) target(%dma_start3A_190 : memref<8192xf32, #tpu.memory_space<vmem>>) target_semaphore(%arg13 : memref<!tpu.dma_semaphore, #tpu.memory_space<semaphore_mem>>)
        %mul3A_192 = arith.constant 64 : i32
        %mul3A_193 = arith.muli %add3A_168, %mul3A_192 : i32
        %dma_start3A_194 = arith.constant 0 : i32
        %dma_start3A_195 = arith.constant 0 : i32
        %dma_start3A_196 = arith.constant 0 : i32
        %dma_start3A_197 = tpu.memref_slice %arg10[%dma_start3A_194, %dma_start3A_195, %dma_start3A_196] : memref<2x64x128xf32, #tpu.memory_space<vmem>> -> memref<1x64x128xf32, #tpu.memory_space<vmem>>
        %dma_start3A_198 = tpu.memref_squeeze %dma_start3A_197 : memref<1x64x128xf32, #tpu.memory_space<vmem>> -> memref<64x128xf32, #tpu.memory_space<vmem>>
        %dma_start3A_199 = tpu.memref_slice %arg7[%mul3A_193] : memref<512xi32, #tpu.memory_space<vmem>> -> memref<64xi32, #tpu.memory_space<vmem>>
        %dma_start3A_200 = arith.constant 0 : i32
        %dma_start3A_201 = arith.constant 0 : i32
        %dma_start3A_202 = tpu.memref_slice %arg5[%dma_start3A_200, %dma_start3A_201] : memref<1000x128xf32, #tpu.memory_space<hbm>> -> memref<1000x128xf32, #tpu.memory_space<hbm>>
        tpu.enqueue_indirect_dma source(%dma_start3A_202 : memref<1000x128xf32, #tpu.memory_space<hbm>>) target(%dma_start3A_198 : memref<64x128xf32, #tpu.memory_space<vmem>>) offsets(%dma_start3A_199 : memref<64xi32, #tpu.memory_space<vmem>>) semaphore(%arg13 : memref<!tpu.dma_semaphore, #tpu.memory_space<semaphore_mem>>)
      } else {
      }
      %add3A_118 = arith.constant 1 : i32
      %add3A_119 = arith.addi %mul3A_73, %add3A_118 : i32
      %mul3A_120 = arith.constant 64 : i32
      %mul3A_121 = arith.muli %add3A_119, %mul3A_120 : i32
      %add3A_122 = arith.addi %mul3A_2, %mul3A_121 : i32
      %mul3A_123 = arith.constant 128 : i32
      %mul3A_124 = arith.muli %add3A_122, %mul3A_123 : i32
      %dma_wait3A_125 = arith.constant 1 : i32
      %dma_wait3A_126 = arith.constant 0 : i32
      %dma_wait3A_127 = tpu.memref_slice %arg8[%dma_wait3A_125, %dma_wait3A_126] : memref<2x8192xf32, #tpu.memory_space<vmem>> -> memref<1x8192xf32, #tpu.memory_space<vmem>>
      %dma_wait3A_128 = tpu.memref_squeeze %dma_wait3A_127 : memref<1x8192xf32, #tpu.memory_space<vmem>> -> memref<8192xf32, #tpu.memory_space<vmem>>
      %dma_wait3A_129 = tpu.memref_slice %arg2[%mul3A_124] : memref<2097152xf32, #tpu.memory_space<hbm>> -> memref<8192xf32, #tpu.memory_space<hbm>>
      %dma_wait3A_130 = arith.constant 0 : i32
      %dma_wait3A_131 = tpu.memref_slice %arg8[%dma_wait3A_125, %dma_wait3A_130] : memref<2x8192xf32, #tpu.memory_space<vmem>> -> memref<1x8192xf32, #tpu.memory_space<vmem>>
      %dma_wait3A_132 = tpu.memref_squeeze %dma_wait3A_131 : memref<1x8192xf32, #tpu.memory_space<vmem>> -> memref<8192xf32, #tpu.memory_space<vmem>>
      %dma_wait3A_133 = tpu.memref_slice %arg2[%mul3A_124] : memref<2097152xf32, #tpu.memory_space<hbm>> -> memref<8192xf32, #tpu.memory_space<hbm>>
      tpu.wait_dma2 semaphore(%arg14 : memref<!tpu.dma_semaphore, #tpu.memory_space<semaphore_mem>>) src(%dma_wait3A_133 : memref<8192xf32, #tpu.memory_space<hbm>>) dst(%dma_wait3A_132 : memref<8192xf32, #tpu.memory_space<vmem>>)
      %dma_wait3A_134 = arith.constant 1 : i32
      %dma_wait3A_135 = arith.constant 0 : i32
      %dma_wait3A_136 = tpu.memref_slice %arg9[%dma_wait3A_134, %dma_wait3A_135] : memref<2x8192xf32, #tpu.memory_space<vmem>> -> memref<1x8192xf32, #tpu.memory_space<vmem>>
      %dma_wait3A_137 = tpu.memref_squeeze %dma_wait3A_136 : memref<1x8192xf32, #tpu.memory_space<vmem>> -> memref<8192xf32, #tpu.memory_space<vmem>>
      %dma_wait3A_138 = tpu.memref_slice %arg3[%mul3A_124] : memref<2097152xf32, #tpu.memory_space<hbm>> -> memref<8192xf32, #tpu.memory_space<hbm>>
      %dma_wait3A_139 = arith.constant 0 : i32
      %dma_wait3A_140 = tpu.memref_slice %arg9[%dma_wait3A_134, %dma_wait3A_139] : memref<2x8192xf32, #tpu.memory_space<vmem>> -> memref<1x8192xf32, #tpu.memory_space<vmem>>
      %dma_wait3A_141 = tpu.memref_squeeze %dma_wait3A_140 : memref<1x8192xf32, #tpu.memory_space<vmem>> -> memref<8192xf32, #tpu.memory_space<vmem>>
      %dma_wait3A_142 = tpu.memref_slice %arg3[%mul3A_124] : memref<2097152xf32, #tpu.memory_space<hbm>> -> memref<8192xf32, #tpu.memory_space<hbm>>
      tpu.wait_dma2 semaphore(%arg14 : memref<!tpu.dma_semaphore, #tpu.memory_space<semaphore_mem>>) src(%dma_wait3A_142 : memref<8192xf32, #tpu.memory_space<hbm>>) dst(%dma_wait3A_141 : memref<8192xf32, #tpu.memory_space<vmem>>)
      %mul3A_143 = arith.constant 64 : i32
      %mul3A_144 = arith.muli %add3A_119, %mul3A_143 : i32
      %dma_wait3A_145 = arith.constant 1 : i32
      %dma_wait3A_146 = arith.constant 0 : i32
      %dma_wait3A_147 = arith.constant 0 : i32
      %dma_wait3A_148 = tpu.memref_slice %arg10[%dma_wait3A_145, %dma_wait3A_146, %dma_wait3A_147] : memref<2x64x128xf32, #tpu.memory_space<vmem>> -> memref<1x64x128xf32, #tpu.memory_space<vmem>>
      %dma_wait3A_149 = tpu.memref_squeeze %dma_wait3A_148 : memref<1x64x128xf32, #tpu.memory_space<vmem>> -> memref<64x128xf32, #tpu.memory_space<vmem>>
      %dma_wait3A_150 = tpu.memref_slice %arg7[%mul3A_144] : memref<512xi32, #tpu.memory_space<vmem>> -> memref<64xi32, #tpu.memory_space<vmem>>
      %dma_wait3A_151 = arith.constant 0 : i32
      %dma_wait3A_152 = arith.constant 0 : i32
      %dma_wait3A_153 = tpu.memref_slice %arg5[%dma_wait3A_151, %dma_wait3A_152] : memref<1000x128xf32, #tpu.memory_space<hbm>> -> memref<1000x128xf32, #tpu.memory_space<hbm>>
      tpu.wait_indirect_dma semaphore(%arg14 : memref<!tpu.dma_semaphore, #tpu.memory_space<semaphore_mem>>) src(%dma_wait3A_153 : memref<1000x128xf32, #tpu.memory_space<hbm>>) dst(%dma_wait3A_149 : memref<64x128xf32, #tpu.memory_space<vmem>>)
      %parallel_loop3A_154 = arith.constant 0 : i32
      %parallel_loop3A_155 = arith.constant 64 : i32
      %parallel_loop3A_156 = arith.constant 1 : i32
      scf.for %parallel_loop3A_167 = %parallel_loop3A_154 to %parallel_loop3A_155 step %parallel_loop3A_156  : i32 {
        %parallel_loop3A_168 = arith.constant 128 : i32
        %parallel_loop3A_169 = arith.muli %parallel_loop3A_167, %parallel_loop3A_168 : i32
        %parallel_loop3A_170 = arith.constant 0.000000e+00 : f32
        %parallel_loop3A_171 = vector.broadcast %parallel_loop3A_170 : f32 to vector<16xf32>
        %parallel_loop3A_172 = arith.constant 0 : i32
        %parallel_loop3A_173 = arith.addi %parallel_loop3A_169, %parallel_loop3A_172 : i32
        %parallel_loop3A_174 = arith.constant 1 : i32
        %parallel_loop3A_175 = arith.index_cast %parallel_loop3A_174 : i32 to index
        %parallel_loop3A_176 = arith.index_cast %parallel_loop3A_173 : i32 to index
        %parallel_loop3A_177 = tpu.vector_load %arg8[%parallel_loop3A_175, %parallel_loop3A_176] {strides = array<i32>} : memref<2x8192xf32, #tpu.memory_space<vmem>>, vector<16xf32>,
        %parallel_loop3A_178 = arith.constant 1 : i32
        %parallel_loop3A_179 = arith.index_cast %parallel_loop3A_178 : i32 to index
        %parallel_loop3A_180 = arith.index_cast %parallel_loop3A_167 : i32 to index
        %parallel_loop3A_181 = arith.constant 0 : index
        %parallel_loop3A_182 = tpu.vector_load %arg10[%parallel_loop3A_179, %parallel_loop3A_180, %parallel_loop3A_181] {strides = array<i32>} : memref<2x64x128xf32, #tpu.memory_space<vmem>>, vector<16xf32>,
        %parallel_loop3A_183 = arith.mulf %parallel_loop3A_177, %parallel_loop3A_182 : vector<16xf32>
        %parallel_loop3A_184 = arith.constant 1 : i32
        %parallel_loop3A_185 = arith.index_cast %parallel_loop3A_184 : i32 to index
        %parallel_loop3A_186 = arith.index_cast %parallel_loop3A_173 : i32 to index
        %parallel_loop3A_187 = tpu.vector_load %arg9[%parallel_loop3A_185, %parallel_loop3A_186] {strides = array<i32>} : memref<2x8192xf32, #tpu.memory_space<vmem>>, vector<16xf32>,
        %parallel_loop3A_188 = arith.mulf %parallel_loop3A_183, %parallel_loop3A_187 : vector<16xf32>
        %parallel_loop3A_189 = arith.addf %parallel_loop3A_171, %parallel_loop3A_188 : vector<16xf32>
        %parallel_loop3A_190 = arith.constant 16 : i32
        %parallel_loop3A_191 = arith.addi %parallel_loop3A_169, %parallel_loop3A_190 : i32
        %parallel_loop3A_192 = arith.constant 1 : i32
        %parallel_loop3A_193 = arith.index_cast %parallel_loop3A_192 : i32 to index
        %parallel_loop3A_194 = arith.index_cast %parallel_loop3A_191 : i32 to index
        %parallel_loop3A_195 = tpu.vector_load %arg8[%parallel_loop3A_193, %parallel_loop3A_194] {strides = array<i32>} : memref<2x8192xf32, #tpu.memory_space<vmem>>, vector<16xf32>,
        %parallel_loop3A_196 = arith.constant 1 : i32
        %parallel_loop3A_197 = arith.index_cast %parallel_loop3A_196 : i32 to index
        %parallel_loop3A_198 = arith.index_cast %parallel_loop3A_167 : i32 to index
        %parallel_loop3A_199 = arith.constant 16 : index
        %parallel_loop3A_200 = tpu.vector_load %arg10[%parallel_loop3A_197, %parallel_loop3A_198, %parallel_loop3A_199] {strides = array<i32>} : memref<2x64x128xf32, #tpu.memory_space<vmem>>, vector<16xf32>,
        %parallel_loop3A_201 = arith.mulf %parallel_loop3A_195, %parallel_loop3A_200 : vector<16xf32>
        %parallel_loop3A_202 = arith.constant 1 : i32
        %parallel_loop3A_203 = arith.index_cast %parallel_loop3A_202 : i32 to index
        %parallel_loop3A_204 = arith.index_cast %parallel_loop3A_191 : i32 to index
        %parallel_loop3A_205 = tpu.vector_load %arg9[%parallel_loop3A_203, %parallel_loop3A_204] {strides = array<i32>} : memref<2x8192xf32, #tpu.memory_space<vmem>>, vector<16xf32>,
        %parallel_loop3A_206 = arith.mulf %parallel_loop3A_201, %parallel_loop3A_205 : vector<16xf32>
        %parallel_loop3A_207 = arith.addf %parallel_loop3A_189, %parallel_loop3A_206 : vector<16xf32>
        %parallel_loop3A_208 = arith.constant 32 : i32
        %parallel_loop3A_209 = arith.addi %parallel_loop3A_169, %parallel_loop3A_208 : i32
        %parallel_loop3A_210 = arith.constant 1 : i32
        %parallel_loop3A_211 = arith.index_cast %parallel_loop3A_210 : i32 to index
        %parallel_loop3A_212 = arith.index_cast %parallel_loop3A_209 : i32 to index
        %parallel_loop3A_213 = tpu.vector_load %arg8[%parallel_loop3A_211, %parallel_loop3A_212] {strides = array<i32>} : memref<2x8192xf32, #tpu.memory_space<vmem>>, vector<16xf32>,
        %parallel_loop3A_214 = arith.constant 1 : i32
        %parallel_loop3A_215 = arith.index_cast %parallel_loop3A_214 : i32 to index
        %parallel_loop3A_216 = arith.index_cast %parallel_loop3A_167 : i32 to index
        %parallel_loop3A_217 = arith.constant 32 : index
        %parallel_loop3A_218 = tpu.vector_load %arg10[%parallel_loop3A_215, %parallel_loop3A_216, %parallel_loop3A_217] {strides = array<i32>} : memref<2x64x128xf32, #tpu.memory_space<vmem>>, vector<16xf32>,
        %parallel_loop3A_219 = arith.mulf %parallel_loop3A_213, %parallel_loop3A_218 : vector<16xf32>
        %parallel_loop3A_220 = arith.constant 1 : i32
        %parallel_loop3A_221 = arith.index_cast %parallel_loop3A_220 : i32 to index
        %parallel_loop3A_222 = arith.index_cast %parallel_loop3A_209 : i32 to index
        %parallel_loop3A_223 = tpu.vector_load %arg9[%parallel_loop3A_221, %parallel_loop3A_222] {strides = array<i32>} : memref<2x8192xf32, #tpu.memory_space<vmem>>, vector<16xf32>,
        %parallel_loop3A_224 = arith.mulf %parallel_loop3A_219, %parallel_loop3A_223 : vector<16xf32>
        %parallel_loop3A_225 = arith.addf %parallel_loop3A_207, %parallel_loop3A_224 : vector<16xf32>
        %parallel_loop3A_226 = arith.constant 48 : i32
        %parallel_loop3A_227 = arith.addi %parallel_loop3A_169, %parallel_loop3A_226 : i32
        %parallel_loop3A_228 = arith.constant 1 : i32
        %parallel_loop3A_229 = arith.index_cast %parallel_loop3A_228 : i32 to index
        %parallel_loop3A_230 = arith.index_cast %parallel_loop3A_227 : i32 to index
        %parallel_loop3A_231 = tpu.vector_load %arg8[%parallel_loop3A_229, %parallel_loop3A_230] {strides = array<i32>} : memref<2x8192xf32, #tpu.memory_space<vmem>>, vector<16xf32>,
        %parallel_loop3A_232 = arith.constant 1 : i32
        %parallel_loop3A_233 = arith.index_cast %parallel_loop3A_232 : i32 to index
        %parallel_loop3A_234 = arith.index_cast %parallel_loop3A_167 : i32 to index
        %parallel_loop3A_235 = arith.constant 48 : index
        %parallel_loop3A_236 = tpu.vector_load %arg10[%parallel_loop3A_233, %parallel_loop3A_234, %parallel_loop3A_235] {strides = array<i32>} : memref<2x64x128xf32, #tpu.memory_space<vmem>>, vector<16xf32>,
        %parallel_loop3A_237 = arith.mulf %parallel_loop3A_231, %parallel_loop3A_236 : vector<16xf32>
        %parallel_loop3A_238 = arith.constant 1 : i32
        %parallel_loop3A_239 = arith.index_cast %parallel_loop3A_238 : i32 to index
        %parallel_loop3A_240 = arith.index_cast %parallel_loop3A_227 : i32 to index
        %parallel_loop3A_241 = tpu.vector_load %arg9[%parallel_loop3A_239, %parallel_loop3A_240] {strides = array<i32>} : memref<2x8192xf32, #tpu.memory_space<vmem>>, vector<16xf32>,
        %parallel_loop3A_242 = arith.mulf %parallel_loop3A_237, %parallel_loop3A_241 : vector<16xf32>
        %parallel_loop3A_243 = arith.addf %parallel_loop3A_225, %parallel_loop3A_242 : vector<16xf32>
        %parallel_loop3A_244 = arith.constant 64 : i32
        %parallel_loop3A_245 = arith.addi %parallel_loop3A_169, %parallel_loop3A_244 : i32
        %parallel_loop3A_246 = arith.constant 1 : i32
        %parallel_loop3A_247 = arith.index_cast %parallel_loop3A_246 : i32 to index
        %parallel_loop3A_248 = arith.index_cast %parallel_loop3A_245 : i32 to index
        %parallel_loop3A_249 = tpu.vector_load %arg8[%parallel_loop3A_247, %parallel_loop3A_248] {strides = array<i32>} : memref<2x8192xf32, #tpu.memory_space<vmem>>, vector<16xf32>,
        %parallel_loop3A_250 = arith.constant 1 : i32
        %parallel_loop3A_251 = arith.index_cast %parallel_loop3A_250 : i32 to index
        %parallel_loop3A_252 = arith.index_cast %parallel_loop3A_167 : i32 to index
        %parallel_loop3A_253 = arith.constant 64 : index
        %parallel_loop3A_254 = tpu.vector_load %arg10[%parallel_loop3A_251, %parallel_loop3A_252, %parallel_loop3A_253] {strides = array<i32>} : memref<2x64x128xf32, #tpu.memory_space<vmem>>, vector<16xf32>,
        %parallel_loop3A_255 = arith.mulf %parallel_loop3A_249, %parallel_loop3A_254 : vector<16xf32>
        %parallel_loop3A_256 = arith.constant 1 : i32
        %parallel_loop3A_257 = arith.index_cast %parallel_loop3A_256 : i32 to index
        %parallel_loop3A_258 = arith.index_cast %parallel_loop3A_245 : i32 to index
        %parallel_loop3A_259 = tpu.vector_load %arg9[%parallel_loop3A_257, %parallel_loop3A_258] {strides = array<i32>} : memref<2x8192xf32, #tpu.memory_space<vmem>>, vector<16xf32>,
        %parallel_loop3A_260 = arith.mulf %parallel_loop3A_255, %parallel_loop3A_259 : vector<16xf32>
        %parallel_loop3A_261 = arith.addf %parallel_loop3A_243, %parallel_loop3A_260 : vector<16xf32>
        %parallel_loop3A_262 = arith.constant 80 : i32
        %parallel_loop3A_263 = arith.addi %parallel_loop3A_169, %parallel_loop3A_262 : i32
        %parallel_loop3A_264 = arith.constant 1 : i32
        %parallel_loop3A_265 = arith.index_cast %parallel_loop3A_264 : i32 to index
        %parallel_loop3A_266 = arith.index_cast %parallel_loop3A_263 : i32 to index
        %parallel_loop3A_267 = tpu.vector_load %arg8[%parallel_loop3A_265, %parallel_loop3A_266] {strides = array<i32>} : memref<2x8192xf32, #tpu.memory_space<vmem>>, vector<16xf32>,
        %parallel_loop3A_268 = arith.constant 1 : i32
        %parallel_loop3A_269 = arith.index_cast %parallel_loop3A_268 : i32 to index
        %parallel_loop3A_270 = arith.index_cast %parallel_loop3A_167 : i32 to index
        %parallel_loop3A_271 = arith.constant 80 : index
        %parallel_loop3A_272 = tpu.vector_load %arg10[%parallel_loop3A_269, %parallel_loop3A_270, %parallel_loop3A_271] {strides = array<i32>} : memref<2x64x128xf32, #tpu.memory_space<vmem>>, vector<16xf32>,
        %parallel_loop3A_273 = arith.mulf %parallel_loop3A_267, %parallel_loop3A_272 : vector<16xf32>
        %parallel_loop3A_274 = arith.constant 1 : i32
        %parallel_loop3A_275 = arith.index_cast %parallel_loop3A_274 : i32 to index
        %parallel_loop3A_276 = arith.index_cast %parallel_loop3A_263 : i32 to index
        %parallel_loop3A_277 = tpu.vector_load %arg9[%parallel_loop3A_275, %parallel_loop3A_276] {strides = array<i32>} : memref<2x8192xf32, #tpu.memory_space<vmem>>, vector<16xf32>,
        %parallel_loop3A_278 = arith.mulf %parallel_loop3A_273, %parallel_loop3A_277 : vector<16xf32>
        %parallel_loop3A_279 = arith.addf %parallel_loop3A_261, %parallel_loop3A_278 : vector<16xf32>
        %parallel_loop3A_280 = arith.constant 96 : i32
        %parallel_loop3A_281 = arith.addi %parallel_loop3A_169, %parallel_loop3A_280 : i32
        %parallel_loop3A_282 = arith.constant 1 : i32
        %parallel_loop3A_283 = arith.index_cast %parallel_loop3A_282 : i32 to index
        %parallel_loop3A_284 = arith.index_cast %parallel_loop3A_281 : i32 to index
        %parallel_loop3A_285 = tpu.vector_load %arg8[%parallel_loop3A_283, %parallel_loop3A_284] {strides = array<i32>} : memref<2x8192xf32, #tpu.memory_space<vmem>>, vector<16xf32>,
        %parallel_loop3A_286 = arith.constant 1 : i32
        %parallel_loop3A_287 = arith.index_cast %parallel_loop3A_286 : i32 to index
        %parallel_loop3A_288 = arith.index_cast %parallel_loop3A_167 : i32 to index
        %parallel_loop3A_289 = arith.constant 96 : index
        %parallel_loop3A_290 = tpu.vector_load %arg10[%parallel_loop3A_287, %parallel_loop3A_288, %parallel_loop3A_289] {strides = array<i32>} : memref<2x64x128xf32, #tpu.memory_space<vmem>>, vector<16xf32>,
        %parallel_loop3A_291 = arith.mulf %parallel_loop3A_285, %parallel_loop3A_290 : vector<16xf32>
        %parallel_loop3A_292 = arith.constant 1 : i32
        %parallel_loop3A_293 = arith.index_cast %parallel_loop3A_292 : i32 to index
        %parallel_loop3A_294 = arith.index_cast %parallel_loop3A_281 : i32 to index
        %parallel_loop3A_295 = tpu.vector_load %arg9[%parallel_loop3A_293, %parallel_loop3A_294] {strides = array<i32>} : memref<2x8192xf32, #tpu.memory_space<vmem>>, vector<16xf32>,
        %parallel_loop3A_296 = arith.mulf %parallel_loop3A_291, %parallel_loop3A_295 : vector<16xf32>
        %parallel_loop3A_297 = arith.addf %parallel_loop3A_279, %parallel_loop3A_296 : vector<16xf32>
        %parallel_loop3A_298 = arith.constant 112 : i32
        %parallel_loop3A_299 = arith.addi %parallel_loop3A_169, %parallel_loop3A_298 : i32
        %parallel_loop3A_300 = arith.constant 1 : i32
        %parallel_loop3A_301 = arith.index_cast %parallel_loop3A_300 : i32 to index
        %parallel_loop3A_302 = arith.index_cast %parallel_loop3A_299 : i32 to index
        %parallel_loop3A_303 = tpu.vector_load %arg8[%parallel_loop3A_301, %parallel_loop3A_302] {strides = array<i32>} : memref<2x8192xf32, #tpu.memory_space<vmem>>, vector<16xf32>,
        %parallel_loop3A_304 = arith.constant 1 : i32
        %parallel_loop3A_305 = arith.index_cast %parallel_loop3A_304 : i32 to index
        %parallel_loop3A_306 = arith.index_cast %parallel_loop3A_167 : i32 to index
        %parallel_loop3A_307 = arith.constant 112 : index
        %parallel_loop3A_308 = tpu.vector_load %arg10[%parallel_loop3A_305, %parallel_loop3A_306, %parallel_loop3A_307] {strides = array<i32>} : memref<2x64x128xf32, #tpu.memory_space<vmem>>, vector<16xf32>,
        %parallel_loop3A_309 = arith.mulf %parallel_loop3A_303, %parallel_loop3A_308 : vector<16xf32>
        %parallel_loop3A_310 = arith.constant 1 : i32
        %parallel_loop3A_311 = arith.index_cast %parallel_loop3A_310 : i32 to index
        %parallel_loop3A_312 = arith.index_cast %parallel_loop3A_299 : i32 to index
        %parallel_loop3A_313 = tpu.vector_load %arg9[%parallel_loop3A_311, %parallel_loop3A_312] {strides = array<i32>} : memref<2x8192xf32, #tpu.memory_space<vmem>>, vector<16xf32>,
        %parallel_loop3A_314 = arith.mulf %parallel_loop3A_309, %parallel_loop3A_313 : vector<16xf32>
        %parallel_loop3A_315 = arith.addf %parallel_loop3A_297, %parallel_loop3A_314 : vector<16xf32>
        %parallel_loop3A_316 = arith.index_cast %parallel_loop3A_167 : i32 to index
        %parallel_loop3A_317 = arith.constant 0 : index
        %parallel_loop3A_318 = tpu.vector_load %arg12[%parallel_loop3A_316, %parallel_loop3A_317] {strides = array<i32>} : memref<64x16xf32, #tpu.memory_space<vmem>>, vector<16xf32>,
        tpu.vector_store %arg12[%parallel_loop3A_316, %parallel_loop3A_317], %parallel_loop3A_315 {strides = array<i32>} : memref<64x16xf32, #tpu.memory_space<vmem>>, vector<16xf32>,
      } {sc.loop_unroll_factor = 4 : i64, sc.parallel_access}
      %parallel_loop3A_157 = arith.constant 0 : i32
      %parallel_loop3A_158 = arith.constant 4 : i32
      %parallel_loop3A_159 = arith.constant 1 : i32
      scf.for %parallel_loop3A_167 = %parallel_loop3A_157 to %parallel_loop3A_158 step %parallel_loop3A_159  : i32 {
        %parallel_loop3A_168 = arith.constant 16 : i32
        %parallel_loop3A_169 = arith.muli %parallel_loop3A_167, %parallel_loop3A_168 : i32
        %parallel_loop3A_170 = vector.broadcast %parallel_loop3A_169 : i32 to vector<16xi32>
        %parallel_loop3A_171 = arith.addi %parallel_loop3A_170, %iota3A : vector<16xi32>
        %parallel_loop3A_172 = arith.constant 0.000000e+00 : f32
        %parallel_loop3A_173 = vector.broadcast %parallel_loop3A_172 : f32 to vector<16xf32>
        %parallel_loop3A_174 = arith.constant 0 : i32
        %parallel_loop3A_175 = vector.broadcast %parallel_loop3A_174 : i32 to vector<16xi32>
        %parallel_loop3A_176 = tpu.vector_load_idx %arg12[%parallel_loop3A_171, %parallel_loop3A_175] : memref<64x16xf32, #tpu.memory_space<vmem>>[vector<16xi32>, vector<16xi32>], vector<16xf32>,
        %parallel_loop3A_177 = arith.addf %parallel_loop3A_173, %parallel_loop3A_176 : vector<16xf32>
        %parallel_loop3A_178 = arith.constant 1 : i32
        %parallel_loop3A_179 = vector.broadcast %parallel_loop3A_178 : i32 to vector<16xi32>
        %parallel_loop3A_180 = tpu.vector_load_idx %arg12[%parallel_loop3A_171, %parallel_loop3A_179] : memref<64x16xf32, #tpu.memory_space<vmem>>[vector<16xi32>, vector<16xi32>], vector<16xf32>,
        %parallel_loop3A_181 = arith.addf %parallel_loop3A_177, %parallel_loop3A_180 : vector<16xf32>
        %parallel_loop3A_182 = arith.constant 2 : i32
        %parallel_loop3A_183 = vector.broadcast %parallel_loop3A_182 : i32 to vector<16xi32>
        %parallel_loop3A_184 = tpu.vector_load_idx %arg12[%parallel_loop3A_171, %parallel_loop3A_183] : memref<64x16xf32, #tpu.memory_space<vmem>>[vector<16xi32>, vector<16xi32>], vector<16xf32>,
        %parallel_loop3A_185 = arith.addf %parallel_loop3A_181, %parallel_loop3A_184 : vector<16xf32>
        %parallel_loop3A_186 = arith.constant 3 : i32
        %parallel_loop3A_187 = vector.broadcast %parallel_loop3A_186 : i32 to vector<16xi32>
        %parallel_loop3A_188 = tpu.vector_load_idx %arg12[%parallel_loop3A_171, %parallel_loop3A_187] : memref<64x16xf32, #tpu.memory_space<vmem>>[vector<16xi32>, vector<16xi32>], vector<16xf32>,
        %parallel_loop3A_189 = arith.addf %parallel_loop3A_185, %parallel_loop3A_188 : vector<16xf32>
        %parallel_loop3A_190 = arith.constant 4 : i32
        %parallel_loop3A_191 = vector.broadcast %parallel_loop3A_190 : i32 to vector<16xi32>
        %parallel_loop3A_192 = tpu.vector_load_idx %arg12[%parallel_loop3A_171, %parallel_loop3A_191] : memref<64x16xf32, #tpu.memory_space<vmem>>[vector<16xi32>, vector<16xi32>], vector<16xf32>,
        %parallel_loop3A_193 = arith.addf %parallel_loop3A_189, %parallel_loop3A_192 : vector<16xf32>
        %parallel_loop3A_194 = arith.constant 5 : i32
        %parallel_loop3A_195 = vector.broadcast %parallel_loop3A_194 : i32 to vector<16xi32>
        %parallel_loop3A_196 = tpu.vector_load_idx %arg12[%parallel_loop3A_171, %parallel_loop3A_195] : memref<64x16xf32, #tpu.memory_space<vmem>>[vector<16xi32>, vector<16xi32>], vector<16xf32>,
        %parallel_loop3A_197 = arith.addf %parallel_loop3A_193, %parallel_loop3A_196 : vector<16xf32>
        %parallel_loop3A_198 = arith.constant 6 : i32
        %parallel_loop3A_199 = vector.broadcast %parallel_loop3A_198 : i32 to vector<16xi32>
        %parallel_loop3A_200 = tpu.vector_load_idx %arg12[%parallel_loop3A_171, %parallel_loop3A_199] : memref<64x16xf32, #tpu.memory_space<vmem>>[vector<16xi32>, vector<16xi32>], vector<16xf32>,
        %parallel_loop3A_201 = arith.addf %parallel_loop3A_197, %parallel_loop3A_200 : vector<16xf32>
        %parallel_loop3A_202 = arith.constant 7 : i32
        %parallel_loop3A_203 = vector.broadcast %parallel_loop3A_202 : i32 to vector<16xi32>
        %parallel_loop3A_204 = tpu.vector_load_idx %arg12[%parallel_loop3A_171, %parallel_loop3A_203] : memref<64x16xf32, #tpu.memory_space<vmem>>[vector<16xi32>, vector<16xi32>], vector<16xf32>,
        %parallel_loop3A_205 = arith.addf %parallel_loop3A_201, %parallel_loop3A_204 : vector<16xf32>
        %parallel_loop3A_206 = arith.constant 8 : i32
        %parallel_loop3A_207 = vector.broadcast %parallel_loop3A_206 : i32 to vector<16xi32>
        %parallel_loop3A_208 = tpu.vector_load_idx %arg12[%parallel_loop3A_171, %parallel_loop3A_207] : memref<64x16xf32, #tpu.memory_space<vmem>>[vector<16xi32>, vector<16xi32>], vector<16xf32>,
        %parallel_loop3A_209 = arith.addf %parallel_loop3A_205, %parallel_loop3A_208 : vector<16xf32>
        %parallel_loop3A_210 = arith.constant 9 : i32
        %parallel_loop3A_211 = vector.broadcast %parallel_loop3A_210 : i32 to vector<16xi32>
        %parallel_loop3A_212 = tpu.vector_load_idx %arg12[%parallel_loop3A_171, %parallel_loop3A_211] : memref<64x16xf32, #tpu.memory_space<vmem>>[vector<16xi32>, vector<16xi32>], vector<16xf32>,
        %parallel_loop3A_213 = arith.addf %parallel_loop3A_209, %parallel_loop3A_212 : vector<16xf32>
        %parallel_loop3A_214 = arith.constant 10 : i32
        %parallel_loop3A_215 = vector.broadcast %parallel_loop3A_214 : i32 to vector<16xi32>
        %parallel_loop3A_216 = tpu.vector_load_idx %arg12[%parallel_loop3A_171, %parallel_loop3A_215] : memref<64x16xf32, #tpu.memory_space<vmem>>[vector<16xi32>, vector<16xi32>], vector<16xf32>,
        %parallel_loop3A_217 = arith.addf %parallel_loop3A_213, %parallel_loop3A_216 : vector<16xf32>
        %parallel_loop3A_218 = arith.constant 11 : i32
        %parallel_loop3A_219 = vector.broadcast %parallel_loop3A_218 : i32 to vector<16xi32>
        %parallel_loop3A_220 = tpu.vector_load_idx %arg12[%parallel_loop3A_171, %parallel_loop3A_219] : memref<64x16xf32, #tpu.memory_space<vmem>>[vector<16xi32>, vector<16xi32>], vector<16xf32>,
        %parallel_loop3A_221 = arith.addf %parallel_loop3A_217, %parallel_loop3A_220 : vector<16xf32>
        %parallel_loop3A_222 = arith.constant 12 : i32
        %parallel_loop3A_223 = vector.broadcast %parallel_loop3A_222 : i32 to vector<16xi32>
        %parallel_loop3A_224 = tpu.vector_load_idx %arg12[%parallel_loop3A_171, %parallel_loop3A_223] : memref<64x16xf32, #tpu.memory_space<vmem>>[vector<16xi32>, vector<16xi32>], vector<16xf32>,
        %parallel_loop3A_225 = arith.addf %parallel_loop3A_221, %parallel_loop3A_224 : vector<16xf32>
        %parallel_loop3A_226 = arith.constant 13 : i32
        %parallel_loop3A_227 = vector.broadcast %parallel_loop3A_226 : i32 to vector<16xi32>
        %parallel_loop3A_228 = tpu.vector_load_idx %arg12[%parallel_loop3A_171, %parallel_loop3A_227] : memref<64x16xf32, #tpu.memory_space<vmem>>[vector<16xi32>, vector<16xi32>], vector<16xf32>,
        %parallel_loop3A_229 = arith.addf %parallel_loop3A_225, %parallel_loop3A_228 : vector<16xf32>
        %parallel_loop3A_230 = arith.constant 14 : i32
        %parallel_loop3A_231 = vector.broadcast %parallel_loop3A_230 : i32 to vector<16xi32>
        %parallel_loop3A_232 = tpu.vector_load_idx %arg12[%parallel_loop3A_171, %parallel_loop3A_231] : memref<64x16xf32, #tpu.memory_space<vmem>>[vector<16xi32>, vector<16xi32>], vector<16xf32>,
        %parallel_loop3A_233 = arith.addf %parallel_loop3A_229, %parallel_loop3A_232 : vector<16xf32>
        %parallel_loop3A_234 = arith.constant 15 : i32
        %parallel_loop3A_235 = vector.broadcast %parallel_loop3A_234 : i32 to vector<16xi32>
        %parallel_loop3A_236 = tpu.vector_load_idx %arg12[%parallel_loop3A_171, %parallel_loop3A_235] : memref<64x16xf32, #tpu.memory_space<vmem>>[vector<16xi32>, vector<16xi32>], vector<16xf32>,
        %parallel_loop3A_237 = arith.addf %parallel_loop3A_233, %parallel_loop3A_236 : vector<16xf32>
        %parallel_loop3A_238 = arith.constant 64 : i32
        %parallel_loop3A_239 = arith.muli %add3A_119, %parallel_loop3A_238 : i32
        %parallel_loop3A_240 = arith.constant 16 : i32
        %parallel_loop3A_241 = arith.muli %parallel_loop3A_167, %parallel_loop3A_240 : i32
        %parallel_loop3A_242 = arith.addi %parallel_loop3A_239, %parallel_loop3A_241 : i32
        %parallel_loop3A_243 = arith.index_cast %parallel_loop3A_242 : i32 to index
        %parallel_loop3A_244 = tpu.vector_load %arg11[%parallel_loop3A_243] {strides = array<i32>} : memref<512xf32, #tpu.memory_space<vmem>>, vector<16xf32>,
        tpu.vector_store %arg11[%parallel_loop3A_243], %parallel_loop3A_237 {strides = array<i32>} : memref<512xf32, #tpu.memory_space<vmem>>, vector<16xf32>,
      } {sc.loop_unroll_factor = 2 : i64, sc.parallel_access}
      %add3A_160 = arith.constant 2 : i32
      %add3A_161 = arith.addi %add3A_119, %add3A_160 : i32
      %lt3A_162 = arith.constant 8 : i32
      %lt3A_163 = arith.cmpi slt, %add3A_161, %lt3A_162 : i32
      %convert_element_type3A_164 = arith.extui %lt3A_163 : i1 to i32
      %cond3A_165 = arith.constant 0 : i32
      %cond3A_166 = arith.cmpi ne, %convert_element_type3A_164, %cond3A_165 : i32
      scf.if %cond3A_166 {
        %add3A_167 = arith.constant 2 : i32
        %add3A_168 = arith.addi %add3A_119, %add3A_167 : i32
        %mul3A_169 = arith.constant 64 : i32
        %mul3A_170 = arith.muli %add3A_168, %mul3A_169 : i32
        %add3A_171 = arith.addi %mul3A_2, %mul3A_170 : i32
        %mul3A_172 = arith.constant 128 : i32
        %mul3A_173 = arith.muli %add3A_171, %mul3A_172 : i32
        %dma_start3A_174 = arith.constant 1 : i32
        %dma_start3A_175 = arith.constant 0 : i32
        %dma_start3A_176 = tpu.memref_slice %arg8[%dma_start3A_174, %dma_start3A_175] : memref<2x8192xf32, #tpu.memory_space<vmem>> -> memref<1x8192xf32, #tpu.memory_space<vmem>>
        %dma_start3A_177 = tpu.memref_squeeze %dma_start3A_176 : memref<1x8192xf32, #tpu.memory_space<vmem>> -> memref<8192xf32, #tpu.memory_space<vmem>>
        %dma_start3A_178 = tpu.memref_slice %arg2[%mul3A_173] : memref<2097152xf32, #tpu.memory_space<hbm>> -> memref<8192xf32, #tpu.memory_space<hbm>>
        %dma_start3A_179 = arith.constant 0 : i32
        %dma_start3A_180 = tpu.memref_slice %arg8[%dma_start3A_174, %dma_start3A_179] : memref<2x8192xf32, #tpu.memory_space<vmem>> -> memref<1x8192xf32, #tpu.memory_space<vmem>>
        %dma_start3A_181 = tpu.memref_squeeze %dma_start3A_180 : memref<1x8192xf32, #tpu.memory_space<vmem>> -> memref<8192xf32, #tpu.memory_space<vmem>>
        %dma_start3A_182 = tpu.memref_slice %arg2[%mul3A_173] : memref<2097152xf32, #tpu.memory_space<hbm>> -> memref<8192xf32, #tpu.memory_space<hbm>>
        tpu.enqueue_dma source(%dma_start3A_182 : memref<8192xf32, #tpu.memory_space<hbm>>) target(%dma_start3A_181 : memref<8192xf32, #tpu.memory_space<vmem>>) target_semaphore(%arg14 : memref<!tpu.dma_semaphore, #tpu.memory_space<semaphore_mem>>)
        %dma_start3A_183 = arith.constant 1 : i32
        %dma_start3A_184 = arith.constant 0 : i32
        %dma_start3A_185 = tpu.memref_slice %arg9[%dma_start3A_183, %dma_start3A_184] : memref<2x8192xf32, #tpu.memory_space<vmem>> -> memref<1x8192xf32, #tpu.memory_space<vmem>>
        %dma_start3A_186 = tpu.memref_squeeze %dma_start3A_185 : memref<1x8192xf32, #tpu.memory_space<vmem>> -> memref<8192xf32, #tpu.memory_space<vmem>>
        %dma_start3A_187 = tpu.memref_slice %arg3[%mul3A_173] : memref<2097152xf32, #tpu.memory_space<hbm>> -> memref<8192xf32, #tpu.memory_space<hbm>>
        %dma_start3A_188 = arith.constant 0 : i32
        %dma_start3A_189 = tpu.memref_slice %arg9[%dma_start3A_183, %dma_start3A_188] : memref<2x8192xf32, #tpu.memory_space<vmem>> -> memref<1x8192xf32, #tpu.memory_space<vmem>>
        %dma_start3A_190 = tpu.memref_squeeze %dma_start3A_189 : memref<1x8192xf32, #tpu.memory_space<vmem>> -> memref<8192xf32, #tpu.memory_space<vmem>>
        %dma_start3A_191 = tpu.memref_slice %arg3[%mul3A_173] : memref<2097152xf32, #tpu.memory_space<hbm>> -> memref<8192xf32, #tpu.memory_space<hbm>>
        tpu.enqueue_dma source(%dma_start3A_191 : memref<8192xf32, #tpu.memory_space<hbm>>) target(%dma_start3A_190 : memref<8192xf32, #tpu.memory_space<vmem>>) target_semaphore(%arg14 : memref<!tpu.dma_semaphore, #tpu.memory_space<semaphore_mem>>)
        %mul3A_192 = arith.constant 64 : i32
        %mul3A_193 = arith.muli %add3A_168, %mul3A_192 : i32
        %dma_start3A_194 = arith.constant 1 : i32
        %dma_start3A_195 = arith.constant 0 : i32
        %dma_start3A_196 = arith.constant 0 : i32
        %dma_start3A_197 = tpu.memref_slice %arg10[%dma_start3A_194, %dma_start3A_195, %dma_start3A_196] : memref<2x64x128xf32, #tpu.memory_space<vmem>> -> memref<1x64x128xf32, #tpu.memory_space<vmem>>
        %dma_start3A_198 = tpu.memref_squeeze %dma_start3A_197 : memref<1x64x128xf32, #tpu.memory_space<vmem>> -> memref<64x128xf32, #tpu.memory_space<vmem>>
        %dma_start3A_199 = tpu.memref_slice %arg7[%mul3A_193] : memref<512xi32, #tpu.memory_space<vmem>> -> memref<64xi32, #tpu.memory_space<vmem>>
        %dma_start3A_200 = arith.constant 0 : i32
        %dma_start3A_201 = arith.constant 0 : i32
        %dma_start3A_202 = tpu.memref_slice %arg5[%dma_start3A_200, %dma_start3A_201] : memref<1000x128xf32, #tpu.memory_space<hbm>> -> memref<1000x128xf32, #tpu.memory_space<hbm>>
        tpu.enqueue_indirect_dma source(%dma_start3A_202 : memref<1000x128xf32, #tpu.memory_space<hbm>>) target(%dma_start3A_198 : memref<64x128xf32, #tpu.memory_space<vmem>>) offsets(%dma_start3A_199 : memref<64xi32, #tpu.memory_space<vmem>>) semaphore(%arg14 : memref<!tpu.dma_semaphore, #tpu.memory_space<semaphore_mem>>)
      } else {
      }
    }
    %scan3A_70 = arith.constant 4 : i32
    "tpu.region"() ({
      %run_scoped3A = tpu.sem_alloc : memref<!tpu.dma_semaphore, #tpu.memory_space<semaphore_mem>>
      %dma_start3A_71 = tpu.memref_slice %arg6[%mul3A_2] : memref<16384xf32, #tpu.memory_space<hbm>> -> memref<512xf32, #tpu.memory_space<hbm>>
      %dma_start3A_72 = tpu.memref_slice %arg6[%mul3A_2] : memref<16384xf32, #tpu.memory_space<hbm>> -> memref<512xf32, #tpu.memory_space<hbm>>
      tpu.enqueue_dma source(%arg11 : memref<512xf32, #tpu.memory_space<vmem>>) target(%dma_start3A_72 : memref<512xf32, #tpu.memory_space<hbm>>) target_semaphore(%run_scoped3A : memref<!tpu.dma_semaphore, #tpu.memory_space<semaphore_mem>>)
      %dma_wait3A = tpu.memref_slice %arg6[%mul3A_2] : memref<16384xf32, #tpu.memory_space<hbm>> -> memref<512xf32, #tpu.memory_space<hbm>>
      %dma_wait3A_73 = tpu.memref_slice %arg6[%mul3A_2] : memref<16384xf32, #tpu.memory_space<hbm>> -> memref<512xf32, #tpu.memory_space<hbm>>
      tpu.wait_dma2 semaphore(%run_scoped3A : memref<!tpu.dma_semaphore, #tpu.memory_space<semaphore_mem>>) src(%arg11 : memref<512xf32, #tpu.memory_space<vmem>>) dst(%dma_wait3A_73 : memref<512xf32, #tpu.memory_space<hbm>>)
      tpu.yield
    }) : () -> ()
    return
  }
}

</mosaic_0001>

<sc_bundles>
// kernel: kernel.3.cloned.1.call-start
scs
__scs_entry_jumppad:
0x0: {  	(pc) =	sbr.rel $0x88, $3  }
0x1: {  	(tag) =	ssettag $0x0;
	lr =	simm.s32 $0x1  }
0x2: {  	[smem:$0x3F9D] =	sst lr;
	_ =	strace $0xD0000000  }
0x3: {  	_ = 	snop  }
0x4: {  	_ = 	snop  }
0x5: {  	_ = 	snop  }
0x6: {  	_ = 	snop  }
0x7: {  	_ = 	snop  }
__scs_overlays_trampoline_lowered:
0x8: {  	[smem:$0x3FAC] =	sst s0  }
0x9: {  	[smem:$0x3FAD] =	sst s1  }
0xa: {  	[smem:$0x3FAE] =	sst s2  }
0xb: {  	[smem:$0x3FAF] =	sst s3  }
0xc: {  	[smem:$0x3FB0] =	sst s4  }
0xd: {  	[smem:$0x3FB1] =	sst s5  }
0xe: {  	[smem:$0x3FB2] =	sst s6  }
0xf: {  	[smem:$0x3FB3] =	sst s7  }
0x10: {  	[smem:$0x3FB4] =	sst s8  }
0x11: {  	[smem:$0x3FB5] =	sst s9;
	s0 =	simm.s32 @!p0 $0x0  }
0x12: {  	s1 =	sld [smem:$0x3F9B];
	s0 =	simm.s32 @p0 $0x1  }
0x13: {  	[smem:$0x3FB6] =	sst s0;
	s0 =	simm.s32 @!p1 $0x0  }
0x14: {  	s2 =	sld [smem:$0x3F9A];
	s0 =	simm.s32 @p1 $0x1  }
0x15: {  	[smem:$0x3FB7] =	sst s0;
	s0 =	simm.s32 @!p2 $0x0  }
0x16: {  	s3 =	sld [smem:$0x3FDB];
	s0 =	simm.s32 @p2 $0x1  }
0x17: {  	s4 =	simm.s32 $0x1BF5;
	[smem:$0x3FB9] =	sst s0  }
0x18: {  	s0 =	sld [smem:$0x3F9C];
	_ =	swait.ge [sflag:s4], $0x0  }
0x19: {  	s7 =	sld [smem:$0x3F9D]  }
0x1a: {  	s8 =	sadd.s32 $0xFFFFE003, lr  }
0x1b: {  	s9 =	sadd.s32 $0xFFFFFEF7, lr;
	s5 =	simm.s32 $0xFFFFFFFF;
	p2 =	slt.u32 s8, $0xFFFFF086  }
0x1c: {  	p1 =	slt.u32 s9, $0xF7A;
	s5 =	simm.s32 @!p2 $0x0  }
0x1d: {  	s5 =	simm.s32 @p1 $0x1;
	p0 =	seq.s32 s7, s2  }
0x1e: {  	s7 =	smul.u32 @!p0 $0xF7A, s2;
	p2 =	seq.s32 @!p0 s5, $0x0  }
0x1f: {  	s9 =	smul.u32 $0xF7A, s1;
	s8 =	simm.s32 @!p0 $0x1BF5;
	p2 =	por !p2, p0  }
0x20: {  	[sflag:s8] =	ssyncset.s32 @!p0 $0xFFFFF086;
	s6 =	sadd.s32 @!p0 s3, s7;
	s7 =	simm.s32 @!p0 $0x108  }
0x21: {  	s3 =	sadd.s32 s3, s9;
	s6 =	sadd.s32 @!p0 $0x88, s6;
	s7 =	simm.s32 @p2 $0x1082  }
0x22: {  	[simem:s7], [sflag:s8] =	dma.local @!p0 [hbm:s6], $0xF7A  }
0x23: {  	s9 =	sor.u32 $0xD0000000, s2;
	s6 =	simm.s32 $0x108;
	_ =	swait.ge @!p0 [sflag:s8], $0x0  }
0x24: {  	s3 =	sadd.s32 $0x88, s3;
	s6 =	simm.s32 @!p1 $0x1082;
	[sflag:s4] =	ssyncset.s32 $0xFFFFF086  }
0x25: {  	[simem:s6], [sflag:s4] =	dma.local [hbm:s3], $0xF7A  }
0x26: {  	[smem:$0x3F9D] =	sst s1;
	(tag) =	ssettag s2;
	_ =	strace s9  }
0x27: {  	s1 =	sld [smem:$0x3FAD]  }
0x28: {  	s2 =	sld [smem:$0x3FAE]  }
0x29: {  	s4 =	sld [smem:$0x3FB0]  }
0x2a: {  	p0 =	seq.s32 s5, $0x0;
	s5 =	sld [smem:$0x3FB1]  }
0x2b: {  	s6 =	sld [smem:$0x3FB2]  }
0x2c: {  	s7 =	sld [smem:$0x3FB3]  }
0x2d: {  	s3 =	simm.s32 $0x108;
	s8 =	sld [smem:$0x3FB4]  }
0x2e: {  	s3 =	simm.s32 @!p0 $0x1082;
	s9 =	sld [smem:$0x3FB5]  }
0x2f: {  	lr =	sadd.s32 s0, s3;
	s0 =	sld [smem:$0x3FAC]  }
0x30: {  	s3 =	sld [smem:$0x3FAF]  }
0x31: {  	[smem:$0x3FB8] =	sst s10  }
0x32: {  	s10 =	sld [smem:$0x3FB6];
	_ =	sdelay $0x3  }
0x33: {  	p0 =	seq.s32 s10, $0x1;
	s10 =	sld [smem:$0x3FB8];
	_ =	sdelay $0x3  }
0x34: {  	[smem:$0x3FB8] =	sst s10  }
0x35: {  	s10 =	sld [smem:$0x3FB7];
	_ =	sdelay $0x3  }
0x36: {  	p1 =	seq.s32 s10, $0x1;
	s10 =	sld [smem:$0x3FB8];
	_ =	sdelay $0x3  }
0x37: {  	[smem:$0x3FB8] =	sst s10  }
0x38: {  	s10 =	sld [smem:$0x3FB9]  }
0x39: {  	_ = 	snop;
	(pc) =	sbr.ind lr, $3  }
0x3a: {  	_ = 	snop  }
0x3b: {  	_ = 	snop  }
0x3c: {  	p2 =	seq.s32 s10, $0x1;
	s10 =	sld [smem:$0x3FB8]  }
0x3d: {  	_ =	shalt  }
0x3e: {  	_ =	shalt  }
0x3f: {  	_ =	shalt  }
0x40: {  	_ =	shalt  }
0x41: {  	_ =	shalt  }
0x42: {  	_ =	shalt  }
0x43: {  	_ =	shalt  }
0x44: {  	_ =	shalt  }
0x45: {  	_ =	shalt  }
0x46: {  	_ =	shalt  }
0x47: {  	_ =	shalt  }
0x48: {  	_ =	shalt  }
0x49: {  	_ =	shalt  }
0x4a: {  	_ =	shalt  }
0x4b: {  	_ =	shalt  }
0x4c: {  	_ =	shalt  }
0x4d: {  	_ =	shalt  }
0x4e: {  	_ =	shalt  }
0x4f: {  	_ =	shalt  }
0x50: {  	_ =	shalt  }
0x51: {  	_ =	shalt  }
0x52: {  	_ =	shalt  }
0x53: {  	_ =	shalt  }
0x54: {  	_ =	shalt  }
0x55: {  	_ =	shalt  }
0x56: {  	_ =	shalt  }
0x57: {  	_ =	shalt  }
0x58: {  	_ =	shalt  }
0x59: {  	_ =	shalt  }
0x5a: {  	_ =	shalt  }
0x5b: {  	_ =	shalt  }
0x5c: {  	_ =	shalt  }
0x5d: {  	_ =	shalt  }
0x5e: {  	_ =	shalt  }
0x5f: {  	_ =	shalt  }
0x60: {  	_ =	shalt  }
0x61: {  	_ =	shalt  }
0x62: {  	_ =	shalt  }
0x63: {  	_ =	shalt  }
0x64: {  	_ =	shalt  }
0x65: {  	_ =	shalt  }
0x66: {  	_ =	shalt  }
0x67: {  	_ =	shalt  }
0x68: {  	_ =	shalt  }
0x69: {  	_ =	shalt  }
0x6a: {  	_ =	shalt  }
0x6b: {  	_ =	shalt  }
0x6c: {  	_ =	shalt  }
0x6d: {  	_ =	shalt  }
0x6e: {  	_ =	shalt  }
0x6f: {  	_ =	shalt  }
0x70: {  	_ =	shalt  }
0x71: {  	_ =	shalt  }
0x72: {  	_ =	shalt  }
0x73: {  	_ =	shalt  }
0x74: {  	_ =	shalt  }
0x75: {  	_ =	shalt  }
0x76: {  	_ =	shalt  }
0x77: {  	_ =	shalt  }
0x78: {  	_ =	shalt  }
0x79: {  	_ =	shalt  }
0x7a: {  	_ =	shalt  }
0x7b: {  	_ =	shalt  }
0x7c: {  	_ =	shalt  }
0x7d: {  	_ =	shalt  }
0x7e: {  	_ =	shalt  }
0x7f: {  	_ =	shalt  }
0x80: {  	_ =	shalt  }
0x81: {  	_ =	shalt  }
0x82: {  	_ =	shalt  }
0x83: {  	_ =	shalt  }
0x84: {  	_ =	shalt  }
0x85: {  	_ =	shalt  }
0x86: {  	_ =	shalt  }
0x87: {  	_ =	shalt  }
.Lfunc_end0:
.L_simem_size_0:
called_computation_lowered:
.L_overlay_start_0:
0x88: {  	s2 =	sld [smem:$0x3FD9]  }
0x89: {  	s3 =	sld [smem:$0x3FFE];
	_ =	sdelay $0x1  }
0x8a: {  	s1 =	srdreg.scid  }
0x8b: {  	s0 =	sand.u32 $0x1, s1  }
0x8c: {  	s18 =	sshll.u32 s0, $0xA;
	s2 =	sadd.s32 s3, s2  }
0x8d: {  	s2 =	sadd.s32 s2, s18  }
0x8e: {  	[smem:$0x3FC4] =	sst s2  }
0x8f: {  	_ = 	snop  }
0x90: {  	s2 =	sld [smem:$0x3FC9]  }
0x91: {  	s19 =	sld [smem:$0x3FC8]  }
0x92: {  	s4 =	sld [smem:$0x3FC7]  }
0x93: {  	s5 =	sld [smem:$0x3FC6]  }
0x94: {  	s6 =	sld [smem:$0x3FD0];
	(tm) =	ssettm $0x1  }
0x95: {  	s7 =	sld [smem:$0x3FFB];
	_ =	sdelay $0x3  }
0x96: {  	_ =	strace s7  }
0x97: {  	s7 =	sld [smem:$0x3FFC];
	_ =	sdelay $0x3  }
0x98: {  	_ =	strace s7  }
0x99: {  	s7 =	sld [smem:$0x3FFD];
	_ =	sdelay $0x3  }
0x9a: {  	_ =	strace s7  }
0x9b: {  	_ =	strace $0x8FFFFFFF  }
0x9c: {  	s20 =	sld [smem:$0x3FDB];
	_ =	sdelay $0x1  }
0x9d: {  	s8 =	simm.s32 $_scs_section_size  }
0x9e: {  	s9 =	simm.s32 $_size__tile_overlayer_lowered;
	s10 =	simm.s32 $_tile_overlayer_lowered  }
0x9f: {  	s23 =	simm.s32 $0x1BFF;
	s22 =	sshll.u32 s10, $0x1;
	s7 =	sadd.s32 s8, s20  }
0xa0: {  	s11 =	simm.s32 $0x0;
	s21 =	sshll.u32 s9, $0x1;
	s9 =	sadd.s32 s22, s7  }
0xa1: {  	[timem:s11], [sflag:s23] =	dma.local [hbm:s9], s21  }
0xa2: {  	_ =	swait.ge [sflag:s23], s21  }
0xa3: {  	s8 =	ssub.s32 $0x0, s21;
	[sflag:s23] =	ssyncset.done $0x0  }
0xa4: {  	[sflag:s23] =	ssyncadd.s32 s8;
	_ =	sdelay $0x1  }
0xa5: {  	s24 =	simm.s32 $0x1B8B  }
0xa6: {  	_ =	swait.ge [sflag:s24], $0x1  }
0xa7: {  	[sflag:s24] =	ssyncset.done $0x0  }
0xa8: {  	s25 =	simm.s32 $0x1B8E;
	[sflag:s24] =	ssyncadd.s32 $0xFFFFFFFF  }
0xa9: {  	s26 =	simm.s32 $execute0_lowered;
	[smem:$0x3FD2] =	sst s25  }
0xaa: {  	s8 =	sshll.u32 s26, $0x1;
	_ =	strace $0x80000046;
	[dreg:$0x1] =	wrdreg $0xFFFFFFFF  }
0xab: {  	s28 =	simm.s32 $_size_execute0_lowered;
	s7 =	sadd.s32 s7, s8;
	[dreg:$0x0] =	wrdreg $0x0  }
0xac: {  	s8 =	sshll.u32 s28, $0x1;
	[dreg:$0x2] =	wrdreg s7  }
0xad: {  	[dreg:$0x3] =	wrdreg s8  }
0xae: {  	[dreg:$0x4] =	wrdreg $0xC0  }
0xaf: {  	_ =	task [dreg:s11], $0x5FFFF  }
0xb0: {  	[dreg:$0x1] =	wrdreg $0xFFFFFFFF  }
0xb1: {  	[dreg:$0x0] =	wrdreg $0x60  }
0xb2: {  	[dreg:$0x2] =	wrdreg s2  }
0xb3: {  	[dreg:$0x3] =	wrdreg s19  }
0xb4: {  	[dreg:$0x4] =	wrdreg s4  }
0xb5: {  	[dreg:$0x5] =	wrdreg s5  }
0xb6: {  	[dreg:$0x6] =	wrdreg s6  }
0xb7: {  	[dreg:$0x7] =	wrdreg $0x9  }
0xb8: {  	_ =	task.clear_ibuf [dreg:s11], $0x8FFFF;
	_ =	strace $0x90000046  }
0xb9: {  	s29 =	simm.s32 $0x9;
	_ =	strace $0x80000048  }
0xba: {  	_ =	swait.ge [sflag:s29], $0x1  }
0xbb: {  	[sflag:s29] =	ssyncadd.s32 $0xFFFFFFFF  }
0xbc: {  	_ =	strace $0x90000048  }
0xbd: {  	_ =	sfence  }
0xbe: {  	s30 =	sld [smem:$0x0];
	_ =	sdelay $0x2  }
0xbf: {  	s31 =	sshll.u32 s1, $0xD;
	s1 =	sshrl.u32 s1, $0x2  }
0xc0: {  	s3 =	sand.u32 $0x4000, s31;
	s1 =	sadd.s32 s1, s30  }
0xc1: {  	s0 =	sor.u32 s3, s0;
	s1 =	sshll.u32 s1, $0x11  }
0xc2: {  	s0 =	sor.u32 s1, s0  }
0xc3: {  	s0 =	sadd.s32 $0x8F2B, s0  }
0xc4: {  	[sflag:s0] =	ssyncadd.remote.s32 $0x1  }
0xc5: {  	_ =	sfence.sel $0xFFFF  }
0xc6: {  	[dreg:$0x0] =	wrdreg $0xFFFFFFFF;
	(pc) =	sbr.abs _section_cstart, $3  }
0xc7: {  	[dreg:$0x1] =	wrdreg $0xFFFFFFFF  }
0xc8: {  	_ =	task.clear_ibuf [dreg:s11], $0x2FFFF;
	_ =	strace $0x9FFFFFFF  }
0xc9: {  	(tm) =	ssettm $0x7FFFFFFF  }
tec
execute0_lowered:
.L_overlay_start_1:
0x0: {  	(tag) =	ssettag $0x1  }
0x1: {  	s1 =	rddreg [dreg:$0x0]  }
0x2: {  	s2 =	rddreg [dreg:$0x1]  }
0x3: {  	s0 =	rddreg [dreg:$0x2]  }
0x4: {  	s3 =	rddreg [dreg:$0x3]  }
0x5: {  	s12 =	rddreg [dreg:$0x4];
	s6 =	srdreg.scid;
	s5 =	simm.s32 $0x0  }
0x6: {  	s4 =	stileid.u32;
	s15 =	simm.s32 $0x40;
	s16 =	simm.s32 $0x8200  }
0x7: {  	s17 =	simm.s32 $0xA200;
	s18 =	simm.s32 $0x1;
	s19 =	simm.s32 $0xC400  }
0x8: {  	s20 =	simm.s32 $0x2;
	s21 =	simm.s32 $0xC200;
	s22 =	simm.s32 $0x0  }
0x9: {  	s6 =	sand.u32 $0x1, s6;
	[smem:$0x7FF] =	sst s5;
	s8 =	sshll.u32 s4, $0x1  }
0xa: {  	s7 =	ssub.s32 $0x2, s6;
	_ =	strace $0x80000047;
	s6 =	sor.u32 s6, s8  }
.Ltmp0:
0xb: {  	s9 =	sshrl.u32 s7, $0x1;
	s14 =	sshll.u32 s6, $0x6;
	(pc) =	sbr.rel .LBB2_1-.Ltmp0, $4  }
0xc: {  	s30 =	sshll.u32 s6, $0xD;
	s6 =	sshll.u32 s6, $0x9;
	s13 =	ssub.s32 s7, s9  }
0xd: {  	s7 =	sadd.s32 s0, s14;
	s31 =	sor.u32 $0x400, s30;
	s8 =	sadd.s32 s1, s30  }
0xe: {  	v0 =	vlaneseq.u32;
	s9 =	sadd.s32 s2, s30;
	s12 =	sadd.s32 s12, s14;
	s14 =	simm.s32 $0x3  }
0xf: {  	v0 =	vmul.u32 $0x80, v0;
	s10 =	sadd.s32 s1, s31;
	s11 =	sadd.s32 s2, s31;
	s13 =	smax.u32 s13, $0x1  }
.LBB2_30:
0x10: {  	s22 =	sadd.s32 $0x1, s22  }
0x11: {  	p0 =	sne.s32 s22, s13  }
.Ltmp1:
0x12: {  	_ = 	snop;
	(pc) =	sbr.rel @!p0 .LBB2_31-.Ltmp1, $4  }
0x13: {  	[hbm4b:s12+s5] =	stream.linear.scatter [tilespmem:s21], [sflag:$0x3], $0x200, $0x38;
	[tilespmem:$0xE400] =	vst v63  }
0x14: {  	_ =	swait.ge [sflag:s14], $0x200  }
0x15: {  	[sflag:s14] =	ssyncset.done $0x0  }
0x16: {  	[sflag:s14] =	ssyncadd.s32 $0xFFFFFE00  }
.LBB2_1:
0x17: {  	[tilespmem:s5], [sflag:$0x3] =	stream.linear.gather [hbm4b:s7+s5], $0x200, $0x38;
	[tilespmem:$0xE400] =	vst v63  }
0x18: {  	_ =	swait.ge [sflag:s14], $0x200  }
0x19: {  	s23 =	simm.s32 $0x200;
	s24 =	simm.s32 $0x10;
	[sflag:s14] =	ssyncset.done $0x0  }
0x1a: {  	s26 =	sadd.s32 $0x0, s8;
	s25 =	simm.s32 $0x300;
	[sflag:s14] =	ssyncadd.s32 $0xFFFFFE00  }
.LBB2_2:
0x1b: {  	[tilespmem:s23], [sflag:$0x1] =	stream.linear.gather [hbm4b:s26+s5], $0x80, $0x38;
	[tilespmem:$0xE400] =	vst v63  }
0x1c: {  	s0 =	smov.u32 s24;
	s23 =	smov.u32 s25;
	p0 =	sne.s32 s24, $0x3F0  }
.Ltmp2:
0x1d: {  	s24 =	sadd.s32 $0x10, s24;
	(pc) =	sbr.rel @p0 .LBB2_2-.Ltmp2, $2  }
0x1e: {  	_ =	sdelay $0x2  }
0x1f: {  	s25 =	sadd.s32 $0x100, s25;
	s26 =	sadd.s32 s0, s8  }
0x20: {  	[tilespmem:s23], [sflag:$0x1] =	stream.linear.gather [hbm4b:s26+s5], $0x80, $0x38;
	[tilespmem:$0xE400] =	vst v63  }
0x21: {  	s23 =	simm.s32 $0x4200  }
0x22: {  	s24 =	simm.s32 $0x10;
	s26 =	sadd.s32 $0x0, s9;
	s25 =	simm.s32 $0x4300  }
.LBB2_4:
0x23: {  	[tilespmem:s23], [sflag:$0x1] =	stream.linear.gather [hbm4b:s26+s5], $0x80, $0x38;
	[tilespmem:$0xE400] =	vst v63  }
0x24: {  	s0 =	smov.u32 s24;
	s23 =	smov.u32 s25;
	p0 =	sne.s32 s24, $0x3F0  }
.Ltmp3:
0x25: {  	s24 =	sadd.s32 $0x10, s24;
	(pc) =	sbr.rel @p0 .LBB2_4-.Ltmp3, $2  }
0x26: {  	_ =	sdelay $0x2  }
0x27: {  	s25 =	sadd.s32 $0x100, s25;
	s26 =	sadd.s32 s0, s9  }
0x28: {  	[tilespmem:s23], [sflag:$0x1] =	stream.linear.gather [hbm4b:s26+s5], $0x80, $0x38;
	[tilespmem:$0xE400] =	vst v63  }
0x29: {  	s0 =	simm.s32 $0x0;
	s23 =	simm.s32 $0x280  }
0x2a: {  	s24 =	simm.s32 $0x10;
	s26 =	sadd.s32 $0x0, s10;
	s25 =	simm.s32 $0x380  }
0x2b: {  	[tilespmem:s16], [sflag:$0x1] =	stream.indirect.gather [hbm4b:s3+s15], $0x80, s0, s15, $0xb8;
	[tilespmem:$0xE400] =	vst v63  }
.LBB2_6:
0x2c: {  	[tilespmem:s23], [sflag:$0x2] =	stream.linear.gather [hbm4b:s26+s5], $0x80, $0x38;
	[tilespmem:$0xE400] =	vst v63  }
0x2d: {  	s0 =	smov.u32 s24;
	s23 =	smov.u32 s25;
	p0 =	sne.s32 s24, $0x3F0  }
.Ltmp4:
0x2e: {  	s24 =	sadd.s32 $0x10, s24;
	(pc) =	sbr.rel @p0 .LBB2_6-.Ltmp4, $2  }
0x2f: {  	_ =	sdelay $0x2  }
0x30: {  	s25 =	sadd.s32 $0x100, s25;
	s26 =	sadd.s32 s0, s10  }
0x31: {  	[tilespmem:s23], [sflag:$0x2] =	stream.linear.gather [hbm4b:s26+s5], $0x80, $0x38;
	[tilespmem:$0xE400] =	vst v63  }
0x32: {  	s23 =	simm.s32 $0x4280  }
0x33: {  	s24 =	simm.s32 $0x10;
	s26 =	sadd.s32 $0x0, s11;
	s25 =	simm.s32 $0x4380  }
.LBB2_8:
0x34: {  	[tilespmem:s23], [sflag:$0x2] =	stream.linear.gather [hbm4b:s26+s5], $0x80, $0x38;
	[tilespmem:$0xE400] =	vst v63  }
0x35: {  	s0 =	smov.u32 s24;
	s23 =	smov.u32 s25;
	p0 =	sne.s32 s24, $0x3F0  }
.Ltmp5:
0x36: {  	s24 =	sadd.s32 $0x10, s24;
	(pc) =	sbr.rel @p0 .LBB2_8-.Ltmp5, $2  }
0x37: {  	_ =	sdelay $0x2  }
0x38: {  	s25 =	sadd.s32 $0x100, s25;
	s26 =	sadd.s32 s0, s11  }
0x39: {  	[tilespmem:s23], [sflag:$0x2] =	stream.linear.gather [hbm4b:s26+s5], $0x80, $0x38;
	[tilespmem:$0xE400] =	vst v63  }
0x3a: {  	s23 =	simm.s32 $0x0  }
0x3b: {  	[tilespmem:s17], [sflag:$0x2] =	stream.indirect.gather [hbm4b:s3+s15], $0x80, s15, s15, $0xb8;
	[tilespmem:$0xE400] =	vst v63  }
.LBB2_10:
0x3c: {  	_ =	swait.ge [sflag:s18], $0x2000  }
0x3d: {  	[sflag:s18] =	ssyncset.done $0x0  }
0x3e: {  	[sflag:s18] =	ssyncadd.s32 $0xFFFFE000  }
0x3f: {  	_ =	swait.ge [sflag:s18], $0x2000  }
0x40: {  	[sflag:s18] =	ssyncset.done $0x0  }
0x41: {  	[sflag:s18] =	ssyncadd.s32 $0xFFFFE000  }
0x42: {  	_ =	swait.ge [sflag:s18], $0x2000  }
0x43: {  	[sflag:s18] =	ssyncset.done $0x0  }
0x44: {  	s29 =	simm.s32 $0x4400;
	[sflag:s18] =	ssyncadd.s32 $0xFFFFE000  }
0x45: {  	v1 =	vld [tilespmem:s29+$0x160]  }
0x46: {  	v2 =	vld [tilespmem:s29+$0x150]  }
0x47: {  	v3 =	vld [tilespmem:s29+$0x140]  }
0x48: {  	v4 =	vld [tilespmem:s29+$0x130]  }
0x49: {  	v5 =	vld [tilespmem:s29+$0x120]  }
0x4a: {  	v6 =	vld [tilespmem:s29+$0x110]  }
0x4b: {  	s26 =	simm.s32 $0x400;
	v7 =	vld [tilespmem:s29+$0x100]  }
0x4c: {  	s25 =	simm.s32 $0x8300;
	v8 =	vld [tilespmem:s26+$0x100]  }
0x4d: {  	v9 =	vld [tilespmem:s25+$0x80]  }
0x4e: {  	v10 =	vld [tilespmem:s26+$0x110]  }
0x4f: {  	v11 =	vld [tilespmem:s25+$0x90]  }
0x50: {  	v12 =	vld [tilespmem:s26+$0x120]  }
0x51: {  	v13 =	vld [tilespmem:s25+$0xA0]  }
0x52: {  	v14 =	vld [tilespmem:s26+$0x130]  }
0x53: {  	v15 =	vld [tilespmem:s25+$0xB0]  }
0x54: {  	v16 =	vld [tilespmem:s26+$0x140]  }
0x55: {  	v17 =	vld [tilespmem:s25+$0xC0]  }
0x56: {  	v18 =	vld [tilespmem:s26+$0x150]  }
0x57: {  	v19 =	vld [tilespmem:s25+$0xD0]  }
0x58: {  	v20 =	vld [tilespmem:s26+$0x160]  }
0x59: {  	v21 =	vld [tilespmem:s25+$0xE0]  }
0x5a: {  	v22 =	vld [tilespmem:s26+$0x170]  }
0x5b: {  	v23 =	vld [tilespmem:s25+$0xF0]  }
0x5c: {  	v24 =	vld [tilespmem:s25+$0xFFFFFF00]  }
0x5d: {  	v25 =	vld [tilespmem:s29+$0x170]  }
0x5e: {  	v26 =	vld [tilespmem:s26+$0xFFFFFF00]  }
0x5f: {  	v27 =	vld [tilespmem:s25+$0xFFFFFF80]  }
0x60: {  	v28 =	vld [tilespmem:s26+$0x0]  }
0x61: {  	v29 =	vld [tilespmem:s25+$0x0]  }
0x62: {  	v30 =	vld [tilespmem:s26+$0xFFFFFE00]  }
0x63: {  	v31 =	vld [tilespmem:s29+$0xFFFFFE00]  }
0x64: {  	v32 =	vld [tilespmem:s26+$0xFFFFFE10]  }
0x65: {  	v33 =	vld [tilespmem:s25+$0xFFFFFF10]  }
0x66: {  	v34 =	vld [tilespmem:s29+$0xFFFFFF00]  }
0x67: {  	v35 =	vld [tilespmem:s26+$0xFFFFFF10]  }
0x68: {  	v36 =	vld [tilespmem:s25+$0xFFFFFF90]  }
0x69: {  	v37 =	vld [tilespmem:s29+$0x0]  }
0x6a: {  	v38 =	vld [tilespmem:s26+$0x10]  }
0x6b: {  	v39 =	vld [tilespmem:s25+$0x10]  }
0x6c: {  	v40 =	vld [tilespmem:s29+$0xFFFFFE10]  }
0x6d: {  	v41 =	vld [tilespmem:s26+$0xFFFFFE20]  }
0x6e: {  	v42 =	vld [tilespmem:s25+$0xFFFFFF20]  }
0x6f: {  	v43 =	vld [tilespmem:s29+$0xFFFFFF10]  }
0x70: {  	v44 =	vld [tilespmem:s26+$0xFFFFFF20]  }
0x71: {  	v45 =	vld [tilespmem:s25+$0xFFFFFFA0]  }
0x72: {  	v46 =	vld [tilespmem:s29+$0x10]  }
0x73: {  	v47 =	vld [tilespmem:s26+$0x20]  }
0x74: {  	v48 =	vld [tilespmem:s25+$0x20]  }
0x75: {  	v49 =	vld [tilespmem:s29+$0xFFFFFE20]  }
0x76: {  	v50 =	vld [tilespmem:s26+$0xFFFFFE30]  }
0x77: {  	v51 =	vld [tilespmem:s25+$0xFFFFFF30]  }
0x78: {  	v52 =	vld [tilespmem:s29+$0xFFFFFF20]  }
0x79: {  	v53 =	vld [tilespmem:s26+$0xFFFFFF30]  }
0x7a: {  	v54 =	vld [tilespmem:s25+$0xFFFFFFB0]  }
0x7b: {  	v55 =	vld [tilespmem:s29+$0x20]  }
0x7c: {  	v56 =	vld [tilespmem:s26+$0x30]  }
0x7d: {  	v57 =	vld [tilespmem:s25+$0x30]  }
0x7e: {  	v58 =	vld [tilespmem:s29+$0xFFFFFE30]  }
0x7f: {  	v59 =	vld [tilespmem:s26+$0xFFFFFE40]  }
0x80: {  	v60 =	vld [tilespmem:s29+$0xFFFFFF30]  }
0x81: {  	v61 =	vld [tilespmem:s25+$0x50];
	v8 =	vmul.f32 v9, v8  }
0x82: {  	v62 =	vld [tilespmem:s29+$0xFFFFFE50]  }
0x83: {  	v63 =	vld [tilespmem:s26+$0xFFFFFE60];
	v7 =	vmul.f32 v7, v8;
	v8 =	vmul.f32 v11, v10  }
0x84: {  	v9 =	vld [tilespmem:s25+$0xFFFFFF40];
	v41 =	vmul.f32 v42, v41  }
0x85: {  	v42 =	vld [tilespmem:s29+$0xFFFFFF50];
	v7 =	vadd.f32 $0.0e+00, v7;
	v6 =	vmul.f32 v6, v8;
	v8 =	vmul.f32 v13, v12  }
0x86: {  	v10 =	vld [tilespmem:s26+$0xFFFFFF40]  }
0x87: {  	v11 =	vld [tilespmem:s25+$0xFFFFFFC0];
	v6 =	vadd.f32 v6, v7;
	v5 =	vmul.f32 v5, v8;
	v7 =	vmul.f32 v15, v14  }
0x88: {  	v21 =	vmul.f32 v21, v20;
	v12 =	vld [tilespmem:s29+$0x30]  }
0x89: {  	v13 =	vld [tilespmem:s26+$0x40];
	v5 =	vadd.f32 v5, v6;
	v4 =	vmul.f32 v4, v7;
	v6 =	vmul.f32 v17, v16  }
0x8a: {  	v33 =	vmul.f32 v33, v32;
	v9 =	vmul.f32 v9, v59;
	v8 =	vld [tilespmem:s25+$0x40]  }
0x8b: {  	v59 =	vld [tilespmem:s29+$0xFFFFFF60];
	v4 =	vadd.f32 v4, v5;
	v3 =	vmul.f32 v3, v6;
	v5 =	vmul.f32 v19, v18  }
0x8c: {  	v1 =	vmul.f32 v1, v21;
	v14 =	vld [tilespmem:s29+$0xFFFFFE40]  }
0x8d: {  	v20 =	vmul.f32 v40, v33;
	v15 =	vld [tilespmem:s25+$0xFFFFFF50];
	v3 =	vadd.f32 v3, v4;
	v2 =	vmul.f32 v2, v5  }
0x8e: {  	v40 =	vmul.f32 v39, v38;
	v10 =	vmul.f32 v11, v10;
	v11 =	vld [tilespmem:s26+$0xFFFFFE70]  }
0x8f: {  	v6 =	vld [tilespmem:s29+$0xFFFFFF40];
	v8 =	vmul.f32 v8, v13;
	v2 =	vadd.f32 v2, v3;
	v3 =	vmul.f32 v23, v22  }
0x90: {  	v7 =	vld [tilespmem:s26+$0xFFFFFE50];
	v5 =	vmul.f32 v24, v30;
	v30 =	vmul.f32 v27, v26  }
0x91: {  	v17 =	vld [tilespmem:s26+$0xFFFFFF50];
	v9 =	vmul.f32 v14, v9;
	v1 =	vadd.f32 v1, v2;
	v2 =	vmul.f32 v25, v3  }
0x92: {  	v16 =	vld [tilespmem:s29+$0x40];
	v5 =	vmul.f32 v31, v5;
	v18 =	vmul.f32 v34, v30  }
0x93: {  	v19 =	vld [tilespmem:s26+$0x50];
	v3 =	vmul.f32 v29, v28;
	v24 =	vadd.f32 v2, v1;
	v1 =	vmul.f32 v36, v35  }
0x94: {  	v4 =	vld [tilespmem:s25+$0xFFFFFFD0];
	v6 =	vmul.f32 v6, v10;
	v25 =	vmul.f32 v46, v40  }
0x95: {  	v10 =	vld [tilespmem:s26+$0xFFFFFF70];
	v5 =	vadd.f32 $0.0e+00, v5;
	v2 =	vmul.f32 v37, v3;
	v1 =	vmul.f32 v43, v1  }
0x96: {  	v18 =	vadd.f32 $0.0e+00, v18;
	v46 =	vld [tilespmem:s25+$0xFFFFFFE0];
	v43 =	vmul.f32 v45, v44;
	v45 =	vmul.f32 v48, v47  }
0x97: {  	v3 =	vld [tilespmem:s25+$0xFFFFFF60];
	v2 =	vadd.f32 $0.0e+00, v2;
	v47 =	vmul.f32 v49, v41;
	v48 =	vmul.f32 v51, v50  }
0x98: {  	v5 =	vadd.f32 v20, v5;
	v44 =	vld [tilespmem:s26+$0xFFFFFF60];
	v51 =	vmul.f32 v54, v53;
	v54 =	vmul.f32 v57, v56  }
0x99: {  	v49 =	vld [tilespmem:s29+$0x50];
	v1 =	vadd.f32 v1, v18;
	v2 =	vadd.f32 v25, v2;
	v50 =	vmul.f32 v52, v43  }
0x9a: {  	v56 =	vld [tilespmem:s29+$0xFFFFFE60];
	v5 =	vadd.f32 v47, v5;
	v53 =	vmul.f32 v55, v45;
	v20 =	vmul.f32 v58, v48  }
0x9b: {  	v7 =	vmul.f32 v15, v7;
	v52 =	vld [tilespmem:s26+$0x60];
	v57 =	vmul.f32 v60, v51;
	v1 =	vadd.f32 v50, v1  }
0x9c: {  	v55 =	vld [tilespmem:s25+$0x60];
	v12 =	vmul.f32 v12, v54;
	v2 =	vadd.f32 v53, v2;
	v5 =	vadd.f32 v20, v5  }
0x9d: {  	v8 =	vmul.f32 v16, v8;
	v4 =	vmul.f32 v4, v17;
	v58 =	vld [tilespmem:s25+$0xFFFFFF70];
	v1 =	vadd.f32 v57, v1  }
0x9e: {  	v60 =	vld [tilespmem:s25+$0xFFFFFFF0];
	v2 =	vadd.f32 v12, v2;
	v5 =	vadd.f32 v9, v5;
	v9 =	vmul.f32 v61, v19  }
0x9f: {  	v61 =	vld [tilespmem:s29+$0x60];
	v1 =	vadd.f32 v6, v1;
	v6 =	vmul.f32 v62, v7;
	v7 =	vmul.f32 v3, v63  }
0xa0: {  	v4 =	vmul.f32 v42, v4;
	v2 =	vadd.f32 v8, v2;
	v8 =	vmul.f32 v46, v44;
	v3 =	vld [tilespmem:s26+$0x70]  }
0xa1: {  	v9 =	vmul.f32 v49, v9;
	v5 =	vadd.f32 v6, v5;
	v62 =	vmul.f32 v56, v7;
	v6 =	vld [tilespmem:s25+$0x70]  }
0xa2: {  	v63 =	vmul.f32 v55, v52;
	v4 =	vadd.f32 v4, v1;
	v14 =	vmul.f32 v59, v8;
	v7 =	vld [tilespmem:s29+$0xFFFFFE70]  }
0xa3: {  	s24 =	simm.s32 $0xC500;
	v10 =	vmul.f32 v60, v10;
	v2 =	vadd.f32 v9, v2;
	v8 =	vld [tilespmem:s29+$0xFFFFFF70];
	v1 =	vadd.f32 v62, v5  }
0xa4: {  	s28 =	simm.s32 $0x0;
	[tilespmem:s24+$0x80] =	vst v24;
	v9 =	vld [tilespmem:s29+$0x70];
	s29 =	simm.s32 $0x4800;
	v5 =	vmul.f32 v58, v11;
	v4 =	vadd.f32 v14, v4;
	v11 =	vmul.f32 v61, v63  }
.LBB2_11:
0xa5: {  	v12 =	vld [tilespmem:s29+$0x160]  }
0xa6: {  	v13 =	vld [tilespmem:s29+$0x150];
	v2 =	vadd.f32 v11, v2;
	v3 =	vmul.f32 v6, v3  }
0xa7: {  	v6 =	vld [tilespmem:s29+$0x140];
	v5 =	vmul.f32 v7, v5  }
0xa8: {  	v7 =	vld [tilespmem:s29+$0x130];
	v8 =	vmul.f32 v8, v10  }
0xa9: {  	v10 =	vld [tilespmem:s29+$0x120];
	v1 =	vadd.f32 v5, v1;
	v3 =	vmul.f32 v9, v3  }
0xaa: {  	v5 =	vld [tilespmem:s29+$0x110];
	v4 =	vadd.f32 v8, v4  }
0xab: {  	s26 =	sadd.s32 $0x400, s26;
	v8 =	vld [tilespmem:s29+$0x100];
	[tilespmem:s24+$0xFFFFFF00] =	vst v1;
	v1 =	vadd.f32 v3, v2  }
0xac: {  	s25 =	sadd.s32 $0x200, s25;
	v2 =	vld [tilespmem:s26+$0x100];
	[tilespmem:s24+$0xFFFFFF80] =	vst v4  }
0xad: {  	s28 =	sadd.s32 $0x4, s28;
	v3 =	vld [tilespmem:s25+$0x80];
	[tilespmem:s24+$0x0] =	vst v1  }
0xae: {  	p0 =	slt.u32 s28, $0x3C;
	v1 =	vld [tilespmem:s26+$0x110]  }
0xaf: {  	v4 =	vld [tilespmem:s25+$0x90]  }
0xb0: {  	v9 =	vld [tilespmem:s26+$0x120]  }
0xb1: {  	v11 =	vld [tilespmem:s25+$0xA0]  }
0xb2: {  	v2 =	vmul.f32 v3, v2;
	v3 =	vld [tilespmem:s26+$0x130]  }
0xb3: {  	v14 =	vld [tilespmem:s25+$0xB0]  }
0xb4: {  	v2 =	vmul.f32 v8, v2;
	v1 =	vmul.f32 v4, v1;
	v4 =	vld [tilespmem:s26+$0x140]  }
0xb5: {  	v8 =	vld [tilespmem:s25+$0xC0]  }
0xb6: {  	v2 =	vadd.f32 $0.0e+00, v2;
	v1 =	vmul.f32 v5, v1;
	v5 =	vmul.f32 v11, v9;
	v9 =	vld [tilespmem:s26+$0x150]  }
0xb7: {  	v11 =	vld [tilespmem:s25+$0xD0]  }
0xb8: {  	v1 =	vadd.f32 v1, v2;
	v2 =	vmul.f32 v10, v5;
	v3 =	vmul.f32 v14, v3;
	v5 =	vld [tilespmem:s26+$0x160]  }
0xb9: {  	v10 =	vld [tilespmem:s25+$0xE0]  }
0xba: {  	v1 =	vadd.f32 v2, v1;
	v2 =	vmul.f32 v7, v3;
	v3 =	vmul.f32 v8, v4;
	v4 =	vld [tilespmem:s26+$0x170]  }
0xbb: {  	v7 =	vld [tilespmem:s25+$0xF0]  }
0xbc: {  	v8 =	vld [tilespmem:s25+$0xFFFFFF00];
	v1 =	vadd.f32 v2, v1;
	v2 =	vmul.f32 v6, v3;
	v3 =	vmul.f32 v11, v9  }
0xbd: {  	v6 =	vld [tilespmem:s29+$0x170]  }
0xbe: {  	v9 =	vld [tilespmem:s26+$0xFFFFFF00];
	v1 =	vadd.f32 v2, v1;
	v2 =	vmul.f32 v13, v3;
	v3 =	vmul.f32 v10, v5  }
0xbf: {  	v5 =	vld [tilespmem:s25+$0xFFFFFF80]  }
0xc0: {  	v10 =	vld [tilespmem:s26+$0x0];
	v1 =	vadd.f32 v2, v1;
	v2 =	vmul.f32 v12, v3;
	v3 =	vmul.f32 v7, v4  }
0xc1: {  	v4 =	vld [tilespmem:s25+$0x0]  }
0xc2: {  	v7 =	vld [tilespmem:s26+$0xFFFFFE00];
	v1 =	vadd.f32 v2, v1;
	v2 =	vmul.f32 v6, v3  }
0xc3: {  	v3 =	vld [tilespmem:s29+$0xFFFFFE00]  }
0xc4: {  	v6 =	vld [tilespmem:s26+$0xFFFFFE10];
	v5 =	vmul.f32 v5, v9;
	v1 =	vadd.f32 v2, v1  }
0xc5: {  	s24 =	sadd.s32 $0x200, s24;
	v2 =	vld [tilespmem:s25+$0xFFFFFF10]  }
0xc6: {  	v9 =	vld [tilespmem:s29+$0xFFFFFF00];
	v4 =	vmul.f32 v4, v10;
	[tilespmem:s24+$0x80] =	vst v1  }
0xc7: {  	v1 =	vmul.f32 v8, v7;
	v7 =	vld [tilespmem:s26+$0xFFFFFF10]  }
0xc8: {  	v8 =	vld [tilespmem:s25+$0xFFFFFF90]  }
0xc9: {  	v1 =	vmul.f32 v3, v1;
	v3 =	vld [tilespmem:s29+$0x0]  }
0xca: {  	v2 =	vmul.f32 v2, v6;
	v6 =	vld [tilespmem:s26+$0x10]  }
0xcb: {  	v1 =	vadd.f32 $0.0e+00, v1;
	v5 =	vmul.f32 v9, v5;
	v9 =	vld [tilespmem:s25+$0x10]  }
0xcc: {  	v10 =	vld [tilespmem:s29+$0xFFFFFE10]  }
0xcd: {  	v11 =	vld [tilespmem:s26+$0xFFFFFE20];
	v5 =	vadd.f32 $0.0e+00, v5;
	v7 =	vmul.f32 v8, v7  }
0xce: {  	v8 =	vld [tilespmem:s25+$0xFFFFFF20];
	v3 =	vmul.f32 v3, v4  }
0xcf: {  	v4 =	vld [tilespmem:s29+$0xFFFFFF10]  }
0xd0: {  	v12 =	vld [tilespmem:s26+$0xFFFFFF20];
	v3 =	vadd.f32 $0.0e+00, v3;
	v6 =	vmul.f32 v9, v6  }
0xd1: {  	v2 =	vmul.f32 v10, v2;
	v9 =	vld [tilespmem:s25+$0xFFFFFFA0]  }
0xd2: {  	v10 =	vld [tilespmem:s29+$0x10]  }
0xd3: {  	v1 =	vadd.f32 v2, v1;
	v2 =	vmul.f32 v8, v11;
	v8 =	vld [tilespmem:s26+$0x20]  }
0xd4: {  	v4 =	vmul.f32 v4, v7;
	v7 =	vld [tilespmem:s25+$0x20]  }
0xd5: {  	v11 =	vld [tilespmem:s29+$0xFFFFFE20]  }
0xd6: {  	v13 =	vld [tilespmem:s26+$0xFFFFFE30];
	v4 =	vadd.f32 v4, v5;
	v5 =	vmul.f32 v9, v12  }
0xd7: {  	v9 =	vld [tilespmem:s25+$0xFFFFFF30];
	v6 =	vmul.f32 v10, v6  }
0xd8: {  	v10 =	vld [tilespmem:s29+$0xFFFFFF20]  }
0xd9: {  	v12 =	vld [tilespmem:s26+$0xFFFFFF30];
	v3 =	vadd.f32 v6, v3;
	v6 =	vmul.f32 v7, v8  }
0xda: {  	v2 =	vmul.f32 v11, v2;
	v7 =	vld [tilespmem:s25+$0xFFFFFFB0]  }
0xdb: {  	v8 =	vld [tilespmem:s29+$0x20]  }
0xdc: {  	v1 =	vadd.f32 v2, v1;
	v2 =	vmul.f32 v9, v13;
	v9 =	vld [tilespmem:s26+$0x30]  }
0xdd: {  	v5 =	vmul.f32 v10, v5;
	v10 =	vld [tilespmem:s25+$0x30]  }
0xde: {  	v11 =	vld [tilespmem:s29+$0xFFFFFE30]  }
0xdf: {  	v13 =	vld [tilespmem:s26+$0xFFFFFE40];
	v4 =	vadd.f32 v5, v4;
	v5 =	vmul.f32 v7, v12  }
0xe0: {  	v7 =	vld [tilespmem:s25+$0xFFFFFF40];
	v6 =	vmul.f32 v8, v6  }
0xe1: {  	v8 =	vld [tilespmem:s29+$0xFFFFFF30]  }
0xe2: {  	v12 =	vld [tilespmem:s26+$0xFFFFFF40];
	v3 =	vadd.f32 v6, v3;
	v6 =	vmul.f32 v10, v9  }
0xe3: {  	v2 =	vmul.f32 v11, v2;
	v9 =	vld [tilespmem:s25+$0xFFFFFFC0]  }
0xe4: {  	v10 =	vld [tilespmem:s29+$0x30]  }
0xe5: {  	v1 =	vadd.f32 v2, v1;
	v2 =	vmul.f32 v7, v13;
	v7 =	vld [tilespmem:s26+$0x40]  }
0xe6: {  	v5 =	vmul.f32 v8, v5;
	v8 =	vld [tilespmem:s25+$0x40]  }
0xe7: {  	v11 =	vld [tilespmem:s29+$0xFFFFFE40]  }
0xe8: {  	v13 =	vld [tilespmem:s26+$0xFFFFFE50];
	v4 =	vadd.f32 v5, v4;
	v5 =	vmul.f32 v9, v12  }
0xe9: {  	v9 =	vld [tilespmem:s25+$0xFFFFFF50];
	v6 =	vmul.f32 v10, v6  }
0xea: {  	v10 =	vld [tilespmem:s29+$0xFFFFFF40]  }
0xeb: {  	v12 =	vld [tilespmem:s26+$0xFFFFFF50];
	v3 =	vadd.f32 v6, v3;
	v6 =	vmul.f32 v8, v7  }
0xec: {  	v2 =	vmul.f32 v11, v2;
	v7 =	vld [tilespmem:s25+$0xFFFFFFD0]  }
0xed: {  	v8 =	vld [tilespmem:s29+$0x40]  }
0xee: {  	v1 =	vadd.f32 v2, v1;
	v2 =	vmul.f32 v9, v13;
	v9 =	vld [tilespmem:s26+$0x50]  }
0xef: {  	v5 =	vmul.f32 v10, v5;
	v10 =	vld [tilespmem:s25+$0x50]  }
0xf0: {  	v11 =	vld [tilespmem:s29+$0xFFFFFE50]  }
0xf1: {  	v13 =	vld [tilespmem:s26+$0xFFFFFE60];
	v4 =	vadd.f32 v5, v4;
	v5 =	vmul.f32 v7, v12  }
0xf2: {  	v7 =	vld [tilespmem:s25+$0xFFFFFF60];
	v6 =	vmul.f32 v8, v6  }
0xf3: {  	v8 =	vld [tilespmem:s29+$0xFFFFFF50]  }
0xf4: {  	v12 =	vld [tilespmem:s26+$0xFFFFFF60];
	v3 =	vadd.f32 v6, v3;
	v6 =	vmul.f32 v10, v9  }
0xf5: {  	v2 =	vmul.f32 v11, v2;
	v9 =	vld [tilespmem:s25+$0xFFFFFFE0]  }
0xf6: {  	v10 =	vld [tilespmem:s29+$0x50]  }
0xf7: {  	v1 =	vadd.f32 v2, v1;
	v7 =	vmul.f32 v7, v13;
	v11 =	vld [tilespmem:s26+$0x60]  }
0xf8: {  	v2 =	vmul.f32 v8, v5;
	v5 =	vld [tilespmem:s25+$0x60]  }
0xf9: {  	v8 =	vld [tilespmem:s29+$0xFFFFFE60]  }
0xfa: {  	v13 =	vld [tilespmem:s26+$0xFFFFFE70];
	v4 =	vadd.f32 v2, v4;
	v9 =	vmul.f32 v9, v12  }
0xfb: {  	v12 =	vld [tilespmem:s25+$0xFFFFFF70];
	v2 =	vmul.f32 v10, v6  }
0xfc: {  	v6 =	vld [tilespmem:s29+$0xFFFFFF60]  }
0xfd: {  	v10 =	vld [tilespmem:s26+$0xFFFFFF70];
	v2 =	vadd.f32 v2, v3;
	v11 =	vmul.f32 v5, v11  }
0xfe: {  	v3 =	vmul.f32 v8, v7;
	v8 =	vld [tilespmem:s25+$0xFFFFFFF0]  }
0xff: {  	v14 =	vld [tilespmem:s29+$0x60]  }
.Ltmp6:
0x100: {  	v1 =	vadd.f32 v3, v1;
	v5 =	vmul.f32 v12, v13;
	v3 =	vld [tilespmem:s26+$0x70];
	(pc) =	sbr.rel @p0 .LBB2_11-.Ltmp6, $4  }
0x101: {  	v9 =	vmul.f32 v6, v9;
	v6 =	vld [tilespmem:s25+$0x70]  }
0x102: {  	v7 =	vld [tilespmem:s29+$0xFFFFFE70]  }
0x103: {  	v4 =	vadd.f32 v9, v4;
	v10 =	vmul.f32 v8, v10;
	v8 =	vld [tilespmem:s29+$0xFFFFFF70]  }
0x104: {  	v11 =	vmul.f32 v14, v11;
	v9 =	vld [tilespmem:s29+$0x70];
	s29 =	sadd.s32 $0x400, s29  }
0x105: {  	_ =	sdelay $0x1  }
0x106: {  	v3 =	vmul.f32 v6, v3;
	v5 =	vmul.f32 v7, v5  }
0x107: {  	v63 =	vmul.f32 v8, v10  }
0x108: {  	v2 =	vadd.f32 v11, v2;
	v1 =	vadd.f32 v5, v1;
	v3 =	vmul.f32 v9, v3  }
0x109: {  	v4 =	vadd.f32 v63, v4  }
0x10a: {  	[tilespmem:s24+$0xFFFFFF00] =	vst v1;
	v1 =	vadd.f32 v3, v2  }
0x10b: {  	[tilespmem:s24+$0xFFFFFF80] =	vst v4  }
0x10c: {  	[tilespmem:s24+$0x0] =	vst v1;
	s24 =	sshll.u32 s23, $0x7  }
0x10d: {  	s0 =	sadd.s32 $0xC200, s24  }
0x10e: {  	s25 =	simm.s32 $0x0;
	p0 =	por $0x1, $0x1;
	v1 =	vmov s0  }
.LBB2_13:
0x10f: {  	v2 =	vmov s25;
	s26 =	sor.u32 $0x10, s25  }
0x110: {  	v2 =	vshll.u32 v2, $0x7;
	v3 =	vmov s26  }
0x111: {  	v2 =	vor.u32 v0, v2;
	v3 =	vshll.u32 v3, $0x7  }
0x112: {  	v3 =	vor.u32 v0, v3  }
0x113: {  	v4 =	vor.u32 $0x1, v2  }
0x114: {  	v5 =	vor.u32 $0x1, v3  }
0x115: {  	v6 =	vor.u32 $0x2, v2  }
0x116: {  	v8 =	vor.u32 $0x2, v3;
	v7 =	vld.idx.msk [tilespmem:v2+s19+$0x0], $0xffff  }
0x117: {  	v9 =	vor.u32 $0x3, v2;
	v10 =	vld.idx.msk [tilespmem:v3+s19+$0x0], $0xffff  }
0x118: {  	v11 =	vor.u32 $0x3, v3;
	v4 =	vld.idx.msk [tilespmem:v4+s19+$0x0], $0xffff  }
0x119: {  	v12 =	vor.u32 $0x4, v2;
	v5 =	vld.idx.msk [tilespmem:v5+s19+$0x0], $0xffff  }
0x11a: {  	v13 =	vor.u32 $0x4, v3;
	v6 =	vld.idx.msk [tilespmem:v6+s19+$0x0], $0xffff  }
0x11b: {  	v14 =	vor.u32 $0x5, v2;
	v8 =	vld.idx.msk [tilespmem:v8+s19+$0x0], $0xffff;
	v7 =	vadd.f32 $0.0e+00, v7  }
0x11c: {  	v15 =	vor.u32 $0x5, v3;
	v9 =	vld.idx.msk [tilespmem:v9+s19+$0x0], $0xffff;
	v10 =	vadd.f32 $0.0e+00, v10  }
0x11d: {  	v43 =	vor.u32 $0x6, v2;
	v11 =	vld.idx.msk [tilespmem:v11+s19+$0x0], $0xffff;
	v4 =	vadd.f32 v4, v7  }
0x11e: {  	v44 =	vor.u32 $0x6, v3;
	v12 =	vld.idx.msk [tilespmem:v12+s19+$0x0], $0xffff;
	v5 =	vadd.f32 v5, v10  }
0x11f: {  	v45 =	vor.u32 $0x7, v2;
	v13 =	vld.idx.msk [tilespmem:v13+s19+$0x0], $0xffff;
	v4 =	vadd.f32 v6, v4  }
0x120: {  	v46 =	vor.u32 $0x7, v3;
	v14 =	vld.idx.msk [tilespmem:v14+s19+$0x0], $0xffff;
	v5 =	vadd.f32 v8, v5  }
0x121: {  	v47 =	vor.u32 $0x8, v2;
	v15 =	vld.idx.msk [tilespmem:v15+s19+$0x0], $0xffff;
	v4 =	vadd.f32 v9, v4  }
0x122: {  	v48 =	vor.u32 $0x8, v3;
	v7 =	vld.idx.msk [tilespmem:v43+s19+$0x0], $0xffff;
	v5 =	vadd.f32 v11, v5  }
0x123: {  	v49 =	vor.u32 $0x9, v2;
	v10 =	vld.idx.msk [tilespmem:v44+s19+$0x0], $0xffff;
	v4 =	vadd.f32 v12, v4  }
0x124: {  	v50 =	vor.u32 $0x9, v3;
	v6 =	vld.idx.msk [tilespmem:v45+s19+$0x0], $0xffff;
	v5 =	vadd.f32 v13, v5  }
0x125: {  	v51 =	vor.u32 $0xA, v2;
	v8 =	vld.idx.msk [tilespmem:v46+s19+$0x0], $0xffff;
	v4 =	vadd.f32 v14, v4  }
0x126: {  	v52 =	vor.u32 $0xA, v3;
	v9 =	vld.idx.msk [tilespmem:v47+s19+$0x0], $0xffff;
	v5 =	vadd.f32 v15, v5  }
0x127: {  	v53 =	vor.u32 $0xB, v2;
	v11 =	vld.idx.msk [tilespmem:v48+s19+$0x0], $0xffff;
	v4 =	vadd.f32 v7, v4  }
0x128: {  	v54 =	vor.u32 $0xB, v3;
	v12 =	vld.idx.msk [tilespmem:v49+s19+$0x0], $0xffff;
	v5 =	vadd.f32 v10, v5  }
0x129: {  	v55 =	vor.u32 $0xC, v2;
	v13 =	vld.idx.msk [tilespmem:v50+s19+$0x0], $0xffff;
	v4 =	vadd.f32 v6, v4  }
0x12a: {  	v56 =	vor.u32 $0xC, v3;
	v14 =	vld.idx.msk [tilespmem:v51+s19+$0x0], $0xffff;
	v5 =	vadd.f32 v8, v5  }
0x12b: {  	v57 =	vor.u32 $0xD, v2;
	v15 =	vld.idx.msk [tilespmem:v52+s19+$0x0], $0xffff;
	v4 =	vadd.f32 v9, v4  }
0x12c: {  	v58 =	vor.u32 $0xD, v3;
	v7 =	vld.idx.msk [tilespmem:v53+s19+$0x0], $0xffff;
	v5 =	vadd.f32 v11, v5  }
0x12d: {  	v59 =	vor.u32 $0xE, v2;
	v10 =	vld.idx.msk [tilespmem:v54+s19+$0x0], $0xffff;
	v4 =	vadd.f32 v12, v4  }
0x12e: {  	v60 =	vor.u32 $0xE, v3;
	v6 =	vld.idx.msk [tilespmem:v55+s19+$0x0], $0xffff;
	v5 =	vadd.f32 v13, v5  }
0x12f: {  	v2 =	vor.u32 $0xF, v2;
	v8 =	vld.idx.msk [tilespmem:v56+s19+$0x0], $0xffff;
	v4 =	vadd.f32 v14, v4  }
0x130: {  	v3 =	vor.u32 $0xF, v3;
	v9 =	vld.idx.msk [tilespmem:v57+s19+$0x0], $0xffff;
	v5 =	vadd.f32 v15, v5  }
0x131: {  	v61 =	vld.idx.msk [tilespmem:v58+s19+$0x0], $0xffff;
	v4 =	vadd.f32 v7, v4  }
0x132: {  	v62 =	vld.idx.msk [tilespmem:v59+s19+$0x0], $0xffff;
	v5 =	vadd.f32 v10, v5  }
0x133: {  	v63 =	vld.idx.msk [tilespmem:v60+s19+$0x0], $0xffff;
	v4 =	vadd.f32 v6, v4  }
0x134: {  	v2 =	vld.idx.msk [tilespmem:v2+s19+$0x0], $0xffff;
	v5 =	vadd.f32 v8, v5  }
0x135: {  	v3 =	vld.idx.msk [tilespmem:v3+s19+$0x0], $0xffff;
	v4 =	vadd.f32 v9, v4  }
0x136: {  	v5 =	vadd.f32 v61, v5  }
0x137: {  	p1 =	por p0, p0;
	v4 =	vadd.f32 v62, v4  }
.Ltmp7:
0x138: {  	v5 =	vadd.f32 v63, v5;
	(pc) =	sbr.rel @p1 .LBB2_13-.Ltmp7, $4  }
0x139: {  	v2 =	vadd.f32 v2, v4  }
0x13a: {  	v3 =	vadd.f32 v3, v5  }
0x13b: {  	[tilespmem:v1+s25+$0x0 ss:$0x1] =	vst.idx.msk $0xffff, v2  }
0x13c: {  	p0 =	por $0x0, $0x0;
	s25 =	simm.s32 $0x20;
	[tilespmem:v1+s26+$0x0 ss:$0x1] =	vst.idx.msk $0xffff, v3  }
0x13d: {  	p0 =	seq.s32 s23, $0x3  }
.Ltmp8:
0x13e: {  	_ = 	snop;
	(pc) =	sbr.rel @p0 .LBB2_20-.Ltmp8, $1  }
0x13f: {  	_ =	sdelay $0x3  }
0x140: {  	s25 =	sadd.s32 $0x80, s24  }
0x141: {  	s0 =	sadd.s32 s6, s25  }
0x142: {  	s0 =	sshll.u32 s0, $0x4  }
0x143: {  	s26 =	sand.u32 $0x1FFFF800, s0  }
0x144: {  	s29 =	simm.s32 $0x200;
	s28 =	sadd.s32 s1, s26  }
0x145: {  	s30 =	simm.s32 $0x10;
	s31 =	simm.s32 $0x300;
	s0 =	sadd.s32 $0x0, s28  }
.LBB2_16:
0x146: {  	[tilespmem:s29], [sflag:$0x1] =	stream.linear.gather [hbm4b:s0+s5], $0x80, $0x38;
	[tilespmem:$0xE400] =	vst v63  }
0x147: {  	s0 =	smov.u32 s30;
	s29 =	smov.u32 s31;
	p1 =	sne.s32 s30, $0x3F0  }
.Ltmp9:
0x148: {  	s30 =	sadd.s32 $0x10, s30;
	(pc) =	sbr.rel @p1 .LBB2_16-.Ltmp9, $2  }
0x149: {  	_ =	sdelay $0x2  }
0x14a: {  	s31 =	sadd.s32 $0x100, s31;
	s0 =	sadd.s32 s0, s28  }
0x14b: {  	[tilespmem:s29], [sflag:$0x1] =	stream.linear.gather [hbm4b:s0+s5], $0x80, $0x38;
	[tilespmem:$0xE400] =	vst v63  }
0x14c: {  	s26 =	sadd.s32 s2, s26;
	s28 =	simm.s32 $0x4200  }
0x14d: {  	s29 =	simm.s32 $0x10;
	s30 =	simm.s32 $0x4300;
	s0 =	sadd.s32 $0x0, s26  }
.LBB2_18:
0x14e: {  	[tilespmem:s28], [sflag:$0x1] =	stream.linear.gather [hbm4b:s0+s5], $0x80, $0x38;
	[tilespmem:$0xE400] =	vst v63  }
0x14f: {  	s0 =	smov.u32 s29;
	s28 =	smov.u32 s30;
	p1 =	sne.s32 s29, $0x3F0  }
.Ltmp10:
0x150: {  	s29 =	sadd.s32 $0x10, s29;
	(pc) =	sbr.rel @p1 .LBB2_18-.Ltmp10, $2  }
0x151: {  	_ =	sdelay $0x2  }
0x152: {  	s30 =	sadd.s32 $0x100, s30;
	s0 =	sadd.s32 s0, s26  }
0x153: {  	[tilespmem:s28], [sflag:$0x1] =	stream.linear.gather [hbm4b:s0+s5], $0x80, $0x38;
	[tilespmem:$0xE400] =	vst v63  }
0x154: {  	_ = 	snop  }
0x155: {  	[tilespmem:s16], [sflag:$0x1] =	stream.indirect.gather [hbm4b:s3+s15], $0x80, s25, s15, $0xb8;
	[tilespmem:$0xE400] =	vst v63  }
.LBB2_20:
0x156: {  	_ =	swait.ge [sflag:s20], $0x2000  }
0x157: {  	[sflag:s20] =	ssyncset.done $0x0  }
0x158: {  	[sflag:s20] =	ssyncadd.s32 $0xFFFFE000  }
0x159: {  	_ =	swait.ge [sflag:s20], $0x2000  }
0x15a: {  	[sflag:s20] =	ssyncset.done $0x0  }
0x15b: {  	[sflag:s20] =	ssyncadd.s32 $0xFFFFE000  }
0x15c: {  	_ =	swait.ge [sflag:s20], $0x2000  }
0x15d: {  	[sflag:s20] =	ssyncset.done $0x0  }
0x15e: {  	s30 =	simm.s32 $0x4480;
	[sflag:s20] =	ssyncadd.s32 $0xFFFFE000  }
0x15f: {  	v1 =	vld [tilespmem:s30+$0x160]  }
0x160: {  	v2 =	vld [tilespmem:s30+$0x150]  }
0x161: {  	v3 =	vld [tilespmem:s30+$0x140]  }
0x162: {  	v4 =	vld [tilespmem:s30+$0x130]  }
0x163: {  	v5 =	vld [tilespmem:s30+$0x120]  }
0x164: {  	v6 =	vld [tilespmem:s30+$0x110]  }
0x165: {  	s28 =	simm.s32 $0x480;
	v7 =	vld [tilespmem:s30+$0x100]  }
0x166: {  	s26 =	simm.s32 $0xA3F0;
	v8 =	vld [tilespmem:s28+$0x100]  }
0x167: {  	v9 =	vld [tilespmem:s26+$0xFFFFFF90]  }
0x168: {  	v10 =	vld [tilespmem:s28+$0x110]  }
0x169: {  	v11 =	vld [tilespmem:s26+$0xFFFFFFA0]  }
0x16a: {  	v12 =	vld [tilespmem:s28+$0x120]  }
0x16b: {  	v13 =	vld [tilespmem:s26+$0xFFFFFFB0]  }
0x16c: {  	v14 =	vld [tilespmem:s28+$0x130]  }
0x16d: {  	v15 =	vld [tilespmem:s26+$0xFFFFFFC0]  }
0x16e: {  	v16 =	vld [tilespmem:s28+$0x140]  }
0x16f: {  	v17 =	vld [tilespmem:s26+$0xFFFFFFD0]  }
0x170: {  	v18 =	vld [tilespmem:s28+$0x150]  }
0x171: {  	v19 =	vld [tilespmem:s26+$0xFFFFFFE0]  }
0x172: {  	v20 =	vld [tilespmem:s28+$0x160]  }
0x173: {  	v21 =	vld [tilespmem:s26+$0xFFFFFFF0]  }
0x174: {  	v22 =	vld [tilespmem:s28+$0x170]  }
0x175: {  	v23 =	vld [tilespmem:s26+$0x0]  }
0x176: {  	v24 =	vld [tilespmem:s26+$0xFFFFFE10]  }
0x177: {  	v25 =	vld [tilespmem:s30+$0x170]  }
0x178: {  	v26 =	vld [tilespmem:s28+$0xFFFFFF00]  }
0x179: {  	v27 =	vld [tilespmem:s26+$0xFFFFFE90]  }
0x17a: {  	v28 =	vld [tilespmem:s28+$0x0]  }
0x17b: {  	v29 =	vld [tilespmem:s26+$0xFFFFFF10]  }
0x17c: {  	v30 =	vld [tilespmem:s28+$0xFFFFFE00]  }
0x17d: {  	v31 =	vld [tilespmem:s30+$0xFFFFFE00]  }
0x17e: {  	v32 =	vld [tilespmem:s28+$0xFFFFFE10]  }
0x17f: {  	v33 =	vld [tilespmem:s26+$0xFFFFFE20]  }
0x180: {  	v34 =	vld [tilespmem:s30+$0xFFFFFF00]  }
0x181: {  	v35 =	vld [tilespmem:s28+$0xFFFFFF10]  }
0x182: {  	v36 =	vld [tilespmem:s26+$0xFFFFFEA0]  }
0x183: {  	v37 =	vld [tilespmem:s30+$0x0]  }
0x184: {  	v38 =	vld [tilespmem:s28+$0x10]  }
0x185: {  	v39 =	vld [tilespmem:s26+$0xFFFFFF20]  }
0x186: {  	v40 =	vld [tilespmem:s30+$0xFFFFFE10]  }
0x187: {  	v41 =	vld [tilespmem:s28+$0xFFFFFE20]  }
0x188: {  	v42 =	vld [tilespmem:s26+$0xFFFFFE30]  }
0x189: {  	v43 =	vld [tilespmem:s30+$0xFFFFFF10]  }
0x18a: {  	v44 =	vld [tilespmem:s28+$0xFFFFFF20]  }
0x18b: {  	v45 =	vld [tilespmem:s26+$0xFFFFFEB0]  }
0x18c: {  	v46 =	vld [tilespmem:s30+$0x10]  }
0x18d: {  	v47 =	vld [tilespmem:s28+$0x20]  }
0x18e: {  	v48 =	vld [tilespmem:s26+$0xFFFFFF30]  }
0x18f: {  	v49 =	vld [tilespmem:s30+$0xFFFFFE20]  }
0x190: {  	v50 =	vld [tilespmem:s28+$0xFFFFFE30]  }
0x191: {  	v51 =	vld [tilespmem:s26+$0xFFFFFE40]  }
0x192: {  	v52 =	vld [tilespmem:s30+$0xFFFFFF20]  }
0x193: {  	v53 =	vld [tilespmem:s28+$0xFFFFFF30]  }
0x194: {  	v54 =	vld [tilespmem:s26+$0xFFFFFEC0]  }
0x195: {  	v55 =	vld [tilespmem:s30+$0x20]  }
0x196: {  	v56 =	vld [tilespmem:s28+$0x30]  }
0x197: {  	v57 =	vld [tilespmem:s26+$0xFFFFFF40]  }
0x198: {  	v58 =	vld [tilespmem:s30+$0xFFFFFE30]  }
0x199: {  	v59 =	vld [tilespmem:s28+$0xFFFFFE40]  }
0x19a: {  	v60 =	vld [tilespmem:s30+$0xFFFFFF30]  }
0x19b: {  	v61 =	vld [tilespmem:s26+$0xFFFFFF60];
	v8 =	vmul.f32 v9, v8  }
0x19c: {  	v62 =	vld [tilespmem:s30+$0xFFFFFE50]  }
0x19d: {  	v63 =	vld [tilespmem:s28+$0xFFFFFE60];
	v7 =	vmul.f32 v7, v8;
	v8 =	vmul.f32 v11, v10  }
0x19e: {  	v9 =	vld [tilespmem:s26+$0xFFFFFE50];
	v41 =	vmul.f32 v42, v41  }
0x19f: {  	v42 =	vld [tilespmem:s30+$0xFFFFFF50];
	v7 =	vadd.f32 $0.0e+00, v7;
	v6 =	vmul.f32 v6, v8;
	v8 =	vmul.f32 v13, v12  }
0x1a0: {  	v10 =	vld [tilespmem:s28+$0xFFFFFF40]  }
0x1a1: {  	v11 =	vld [tilespmem:s26+$0xFFFFFED0];
	v6 =	vadd.f32 v6, v7;
	v5 =	vmul.f32 v5, v8;
	v7 =	vmul.f32 v15, v14  }
0x1a2: {  	v21 =	vmul.f32 v21, v20;
	v12 =	vld [tilespmem:s30+$0x30]  }
0x1a3: {  	v13 =	vld [tilespmem:s28+$0x40];
	v5 =	vadd.f32 v5, v6;
	v4 =	vmul.f32 v4, v7;
	v6 =	vmul.f32 v17, v16  }
0x1a4: {  	v33 =	vmul.f32 v33, v32;
	v9 =	vmul.f32 v9, v59;
	v8 =	vld [tilespmem:s26+$0xFFFFFF50]  }
0x1a5: {  	v59 =	vld [tilespmem:s30+$0xFFFFFF60];
	v4 =	vadd.f32 v4, v5;
	v3 =	vmul.f32 v3, v6;
	v5 =	vmul.f32 v19, v18  }
0x1a6: {  	v1 =	vmul.f32 v1, v21;
	v14 =	vld [tilespmem:s30+$0xFFFFFE40]  }
0x1a7: {  	v20 =	vmul.f32 v40, v33;
	v15 =	vld [tilespmem:s26+$0xFFFFFE60];
	v3 =	vadd.f32 v3, v4;
	v2 =	vmul.f32 v2, v5  }
0x1a8: {  	v40 =	vmul.f32 v39, v38;
	v10 =	vmul.f32 v11, v10;
	v11 =	vld [tilespmem:s28+$0xFFFFFE70]  }
0x1a9: {  	v6 =	vld [tilespmem:s30+$0xFFFFFF40];
	v8 =	vmul.f32 v8, v13;
	v2 =	vadd.f32 v2, v3;
	v3 =	vmul.f32 v23, v22  }
0x1aa: {  	v7 =	vld [tilespmem:s28+$0xFFFFFE50];
	v5 =	vmul.f32 v24, v30;
	v30 =	vmul.f32 v27, v26  }
0x1ab: {  	v17 =	vld [tilespmem:s28+$0xFFFFFF50];
	v9 =	vmul.f32 v14, v9;
	v1 =	vadd.f32 v1, v2;
	v2 =	vmul.f32 v25, v3  }
0x1ac: {  	v16 =	vld [tilespmem:s30+$0x40];
	v5 =	vmul.f32 v31, v5;
	v18 =	vmul.f32 v34, v30  }
0x1ad: {  	v19 =	vld [tilespmem:s28+$0x50];
	v3 =	vmul.f32 v29, v28;
	v24 =	vadd.f32 v2, v1;
	v1 =	vmul.f32 v36, v35  }
0x1ae: {  	v4 =	vld [tilespmem:s26+$0xFFFFFEE0];
	v6 =	vmul.f32 v6, v10;
	v25 =	vmul.f32 v46, v40  }
0x1af: {  	v10 =	vld [tilespmem:s28+$0xFFFFFF70];
	v5 =	vadd.f32 $0.0e+00, v5;
	v2 =	vmul.f32 v37, v3;
	v1 =	vmul.f32 v43, v1  }
0x1b0: {  	v18 =	vadd.f32 $0.0e+00, v18;
	v46 =	vld [tilespmem:s26+$0xFFFFFEF0];
	v43 =	vmul.f32 v45, v44;
	v45 =	vmul.f32 v48, v47  }
0x1b1: {  	v3 =	vld [tilespmem:s26+$0xFFFFFE70];
	v2 =	vadd.f32 $0.0e+00, v2;
	v47 =	vmul.f32 v49, v41;
	v48 =	vmul.f32 v51, v50  }
0x1b2: {  	v5 =	vadd.f32 v20, v5;
	v44 =	vld [tilespmem:s28+$0xFFFFFF60];
	v51 =	vmul.f32 v54, v53;
	v54 =	vmul.f32 v57, v56  }
0x1b3: {  	v49 =	vld [tilespmem:s30+$0x50];
	v1 =	vadd.f32 v1, v18;
	v2 =	vadd.f32 v25, v2;
	v50 =	vmul.f32 v52, v43  }
0x1b4: {  	v56 =	vld [tilespmem:s30+$0xFFFFFE60];
	v5 =	vadd.f32 v47, v5;
	v53 =	vmul.f32 v55, v45;
	v20 =	vmul.f32 v58, v48  }
0x1b5: {  	v7 =	vmul.f32 v15, v7;
	v52 =	vld [tilespmem:s28+$0x60];
	v57 =	vmul.f32 v60, v51;
	v1 =	vadd.f32 v50, v1  }
0x1b6: {  	v55 =	vld [tilespmem:s26+$0xFFFFFF70];
	v12 =	vmul.f32 v12, v54;
	v2 =	vadd.f32 v53, v2;
	v5 =	vadd.f32 v20, v5  }
0x1b7: {  	v8 =	vmul.f32 v16, v8;
	v4 =	vmul.f32 v4, v17;
	v58 =	vld [tilespmem:s26+$0xFFFFFE80];
	v1 =	vadd.f32 v57, v1  }
0x1b8: {  	v60 =	vld [tilespmem:s26+$0xFFFFFF00];
	v2 =	vadd.f32 v12, v2;
	v5 =	vadd.f32 v9, v5;
	v9 =	vmul.f32 v61, v19  }
0x1b9: {  	v61 =	vld [tilespmem:s30+$0x60];
	v1 =	vadd.f32 v6, v1;
	v6 =	vmul.f32 v62, v7;
	v7 =	vmul.f32 v3, v63  }
0x1ba: {  	v4 =	vmul.f32 v42, v4;
	v2 =	vadd.f32 v8, v2;
	v8 =	vmul.f32 v46, v44;
	v3 =	vld [tilespmem:s28+$0x70]  }
0x1bb: {  	v9 =	vmul.f32 v49, v9;
	v5 =	vadd.f32 v6, v5;
	v62 =	vmul.f32 v56, v7;
	v6 =	vld [tilespmem:s26+$0xFFFFFF80]  }
0x1bc: {  	v63 =	vmul.f32 v55, v52;
	v4 =	vadd.f32 v4, v1;
	v14 =	vmul.f32 v59, v8;
	v7 =	vld [tilespmem:s30+$0xFFFFFE70]  }
0x1bd: {  	s25 =	simm.s32 $0xC500;
	v10 =	vmul.f32 v60, v10;
	v2 =	vadd.f32 v9, v2;
	v8 =	vld [tilespmem:s30+$0xFFFFFF70];
	v1 =	vadd.f32 v62, v5  }
0x1be: {  	s29 =	simm.s32 $0x0;
	[tilespmem:s25+$0x80] =	vst v24;
	v9 =	vld [tilespmem:s30+$0x70];
	s30 =	simm.s32 $0x4880;
	v5 =	vmul.f32 v58, v11;
	v4 =	vadd.f32 v14, v4;
	v11 =	vmul.f32 v61, v63  }
.LBB2_21:
0x1bf: {  	v12 =	vld [tilespmem:s30+$0x160]  }
0x1c0: {  	v13 =	vld [tilespmem:s30+$0x150];
	v2 =	vadd.f32 v11, v2;
	v3 =	vmul.f32 v6, v3  }
0x1c1: {  	v6 =	vld [tilespmem:s30+$0x140];
	v5 =	vmul.f32 v7, v5  }
0x1c2: {  	v7 =	vld [tilespmem:s30+$0x130];
	v8 =	vmul.f32 v8, v10  }
0x1c3: {  	v10 =	vld [tilespmem:s30+$0x120];
	v1 =	vadd.f32 v5, v1;
	v3 =	vmul.f32 v9, v3  }
0x1c4: {  	v5 =	vld [tilespmem:s30+$0x110];
	v4 =	vadd.f32 v8, v4  }
0x1c5: {  	s28 =	sadd.s32 $0x400, s28;
	v8 =	vld [tilespmem:s30+$0x100];
	[tilespmem:s25+$0xFFFFFF00] =	vst v1;
	v1 =	vadd.f32 v3, v2  }
0x1c6: {  	s26 =	sadd.s32 $0x200, s26;
	v2 =	vld [tilespmem:s28+$0x100];
	[tilespmem:s25+$0xFFFFFF80] =	vst v4  }
0x1c7: {  	s29 =	sadd.s32 $0x4, s29;
	v3 =	vld [tilespmem:s26+$0xFFFFFF90];
	[tilespmem:s25+$0x0] =	vst v1  }
0x1c8: {  	p1 =	slt.u32 s29, $0x3C;
	v1 =	vld [tilespmem:s28+$0x110]  }
0x1c9: {  	v4 =	vld [tilespmem:s26+$0xFFFFFFA0]  }
0x1ca: {  	v9 =	vld [tilespmem:s28+$0x120]  }
0x1cb: {  	v11 =	vld [tilespmem:s26+$0xFFFFFFB0]  }
0x1cc: {  	v2 =	vmul.f32 v3, v2;
	v3 =	vld [tilespmem:s28+$0x130]  }
0x1cd: {  	v14 =	vld [tilespmem:s26+$0xFFFFFFC0]  }
0x1ce: {  	v2 =	vmul.f32 v8, v2;
	v1 =	vmul.f32 v4, v1;
	v4 =	vld [tilespmem:s28+$0x140]  }
0x1cf: {  	v8 =	vld [tilespmem:s26+$0xFFFFFFD0]  }
0x1d0: {  	v2 =	vadd.f32 $0.0e+00, v2;
	v1 =	vmul.f32 v5, v1;
	v5 =	vmul.f32 v11, v9;
	v9 =	vld [tilespmem:s28+$0x150]  }
0x1d1: {  	v11 =	vld [tilespmem:s26+$0xFFFFFFE0]  }
0x1d2: {  	v1 =	vadd.f32 v1, v2;
	v2 =	vmul.f32 v10, v5;
	v3 =	vmul.f32 v14, v3;
	v5 =	vld [tilespmem:s28+$0x160]  }
0x1d3: {  	v10 =	vld [tilespmem:s26+$0xFFFFFFF0]  }
0x1d4: {  	v1 =	vadd.f32 v2, v1;
	v2 =	vmul.f32 v7, v3;
	v3 =	vmul.f32 v8, v4;
	v4 =	vld [tilespmem:s28+$0x170]  }
0x1d5: {  	v7 =	vld [tilespmem:s26+$0x0]  }
0x1d6: {  	v8 =	vld [tilespmem:s26+$0xFFFFFE10];
	v1 =	vadd.f32 v2, v1;
	v2 =	vmul.f32 v6, v3;
	v3 =	vmul.f32 v11, v9  }
0x1d7: {  	v6 =	vld [tilespmem:s30+$0x170]  }
0x1d8: {  	v9 =	vld [tilespmem:s28+$0xFFFFFF00];
	v1 =	vadd.f32 v2, v1;
	v2 =	vmul.f32 v13, v3;
	v3 =	vmul.f32 v10, v5  }
0x1d9: {  	v5 =	vld [tilespmem:s26+$0xFFFFFE90]  }
0x1da: {  	v10 =	vld [tilespmem:s28+$0x0];
	v1 =	vadd.f32 v2, v1;
	v2 =	vmul.f32 v12, v3;
	v3 =	vmul.f32 v7, v4  }
0x1db: {  	v4 =	vld [tilespmem:s26+$0xFFFFFF10]  }
0x1dc: {  	v7 =	vld [tilespmem:s28+$0xFFFFFE00];
	v1 =	vadd.f32 v2, v1;
	v2 =	vmul.f32 v6, v3  }
0x1dd: {  	v3 =	vld [tilespmem:s30+$0xFFFFFE00]  }
0x1de: {  	v6 =	vld [tilespmem:s28+$0xFFFFFE10];
	v5 =	vmul.f32 v5, v9;
	v1 =	vadd.f32 v2, v1  }
0x1df: {  	s25 =	sadd.s32 $0x200, s25;
	v2 =	vld [tilespmem:s26+$0xFFFFFE20]  }
0x1e0: {  	v9 =	vld [tilespmem:s30+$0xFFFFFF00];
	v4 =	vmul.f32 v4, v10;
	[tilespmem:s25+$0x80] =	vst v1  }
0x1e1: {  	v1 =	vmul.f32 v8, v7;
	v7 =	vld [tilespmem:s28+$0xFFFFFF10]  }
0x1e2: {  	v8 =	vld [tilespmem:s26+$0xFFFFFEA0]  }
0x1e3: {  	v1 =	vmul.f32 v3, v1;
	v3 =	vld [tilespmem:s30+$0x0]  }
0x1e4: {  	v2 =	vmul.f32 v2, v6;
	v6 =	vld [tilespmem:s28+$0x10]  }
0x1e5: {  	v1 =	vadd.f32 $0.0e+00, v1;
	v5 =	vmul.f32 v9, v5;
	v9 =	vld [tilespmem:s26+$0xFFFFFF20]  }
0x1e6: {  	v10 =	vld [tilespmem:s30+$0xFFFFFE10]  }
0x1e7: {  	v11 =	vld [tilespmem:s28+$0xFFFFFE20];
	v5 =	vadd.f32 $0.0e+00, v5;
	v7 =	vmul.f32 v8, v7  }
0x1e8: {  	v8 =	vld [tilespmem:s26+$0xFFFFFE30];
	v3 =	vmul.f32 v3, v4  }
0x1e9: {  	v4 =	vld [tilespmem:s30+$0xFFFFFF10]  }
0x1ea: {  	v12 =	vld [tilespmem:s28+$0xFFFFFF20];
	v3 =	vadd.f32 $0.0e+00, v3;
	v6 =	vmul.f32 v9, v6  }
0x1eb: {  	v2 =	vmul.f32 v10, v2;
	v9 =	vld [tilespmem:s26+$0xFFFFFEB0]  }
0x1ec: {  	v10 =	vld [tilespmem:s30+$0x10]  }
0x1ed: {  	v1 =	vadd.f32 v2, v1;
	v2 =	vmul.f32 v8, v11;
	v8 =	vld [tilespmem:s28+$0x20]  }
0x1ee: {  	v4 =	vmul.f32 v4, v7;
	v7 =	vld [tilespmem:s26+$0xFFFFFF30]  }
0x1ef: {  	v11 =	vld [tilespmem:s30+$0xFFFFFE20]  }
0x1f0: {  	v13 =	vld [tilespmem:s28+$0xFFFFFE30];
	v4 =	vadd.f32 v4, v5;
	v5 =	vmul.f32 v9, v12  }
0x1f1: {  	v9 =	vld [tilespmem:s26+$0xFFFFFE40];
	v6 =	vmul.f32 v10, v6  }
0x1f2: {  	v10 =	vld [tilespmem:s30+$0xFFFFFF20]  }
0x1f3: {  	v12 =	vld [tilespmem:s28+$0xFFFFFF30];
	v3 =	vadd.f32 v6, v3;
	v6 =	vmul.f32 v7, v8  }
0x1f4: {  	v2 =	vmul.f32 v11, v2;
	v7 =	vld [tilespmem:s26+$0xFFFFFEC0]  }
0x1f5: {  	v8 =	vld [tilespmem:s30+$0x20]  }
0x1f6: {  	v1 =	vadd.f32 v2, v1;
	v2 =	vmul.f32 v9, v13;
	v9 =	vld [tilespmem:s28+$0x30]  }
0x1f7: {  	v5 =	vmul.f32 v10, v5;
	v10 =	vld [tilespmem:s26+$0xFFFFFF40]  }
0x1f8: {  	v11 =	vld [tilespmem:s30+$0xFFFFFE30]  }
0x1f9: {  	v13 =	vld [tilespmem:s28+$0xFFFFFE40];
	v4 =	vadd.f32 v5, v4;
	v5 =	vmul.f32 v7, v12  }
0x1fa: {  	v7 =	vld [tilespmem:s26+$0xFFFFFE50];
	v6 =	vmul.f32 v8, v6  }
0x1fb: {  	v8 =	vld [tilespmem:s30+$0xFFFFFF30]  }
0x1fc: {  	v12 =	vld [tilespmem:s28+$0xFFFFFF40];
	v3 =	vadd.f32 v6, v3;
	v6 =	vmul.f32 v10, v9  }
0x1fd: {  	v2 =	vmul.f32 v11, v2;
	v9 =	vld [tilespmem:s26+$0xFFFFFED0]  }
0x1fe: {  	v10 =	vld [tilespmem:s30+$0x30]  }
0x1ff: {  	v1 =	vadd.f32 v2, v1;
	v2 =	vmul.f32 v7, v13;
	v7 =	vld [tilespmem:s28+$0x40]  }
0x200: {  	v5 =	vmul.f32 v8, v5;
	v8 =	vld [tilespmem:s26+$0xFFFFFF50]  }
0x201: {  	v11 =	vld [tilespmem:s30+$0xFFFFFE40]  }
0x202: {  	v13 =	vld [tilespmem:s28+$0xFFFFFE50];
	v4 =	vadd.f32 v5, v4;
	v5 =	vmul.f32 v9, v12  }
0x203: {  	v9 =	vld [tilespmem:s26+$0xFFFFFE60];
	v6 =	vmul.f32 v10, v6  }
0x204: {  	v10 =	vld [tilespmem:s30+$0xFFFFFF40]  }
0x205: {  	v12 =	vld [tilespmem:s28+$0xFFFFFF50];
	v3 =	vadd.f32 v6, v3;
	v6 =	vmul.f32 v8, v7  }
0x206: {  	v2 =	vmul.f32 v11, v2;
	v7 =	vld [tilespmem:s26+$0xFFFFFEE0]  }
0x207: {  	v8 =	vld [tilespmem:s30+$0x40]  }
0x208: {  	v1 =	vadd.f32 v2, v1;
	v2 =	vmul.f32 v9, v13;
	v9 =	vld [tilespmem:s28+$0x50]  }
0x209: {  	v5 =	vmul.f32 v10, v5;
	v10 =	vld [tilespmem:s26+$0xFFFFFF60]  }
0x20a: {  	v11 =	vld [tilespmem:s30+$0xFFFFFE50]  }
0x20b: {  	v13 =	vld [tilespmem:s28+$0xFFFFFE60];
	v4 =	vadd.f32 v5, v4;
	v5 =	vmul.f32 v7, v12  }
0x20c: {  	v7 =	vld [tilespmem:s26+$0xFFFFFE70];
	v6 =	vmul.f32 v8, v6  }
0x20d: {  	v8 =	vld [tilespmem:s30+$0xFFFFFF50]  }
0x20e: {  	v12 =	vld [tilespmem:s28+$0xFFFFFF60];
	v3 =	vadd.f32 v6, v3;
	v6 =	vmul.f32 v10, v9  }
0x20f: {  	v2 =	vmul.f32 v11, v2;
	v9 =	vld [tilespmem:s26+$0xFFFFFEF0]  }
0x210: {  	v10 =	vld [tilespmem:s30+$0x50]  }
0x211: {  	v1 =	vadd.f32 v2, v1;
	v7 =	vmul.f32 v7, v13;
	v11 =	vld [tilespmem:s28+$0x60]  }
0x212: {  	v2 =	vmul.f32 v8, v5;
	v5 =	vld [tilespmem:s26+$0xFFFFFF70]  }
0x213: {  	v8 =	vld [tilespmem:s30+$0xFFFFFE60]  }
0x214: {  	v13 =	vld [tilespmem:s28+$0xFFFFFE70];
	v4 =	vadd.f32 v2, v4;
	v9 =	vmul.f32 v9, v12  }
0x215: {  	v12 =	vld [tilespmem:s26+$0xFFFFFE80];
	v2 =	vmul.f32 v10, v6  }
0x216: {  	v6 =	vld [tilespmem:s30+$0xFFFFFF60]  }
0x217: {  	v10 =	vld [tilespmem:s28+$0xFFFFFF70];
	v2 =	vadd.f32 v2, v3;
	v11 =	vmul.f32 v5, v11  }
0x218: {  	v3 =	vmul.f32 v8, v7;
	v8 =	vld [tilespmem:s26+$0xFFFFFF00]  }
0x219: {  	v14 =	vld [tilespmem:s30+$0x60]  }
.Ltmp11:
0x21a: {  	v1 =	vadd.f32 v3, v1;
	v5 =	vmul.f32 v12, v13;
	v3 =	vld [tilespmem:s28+$0x70];
	(pc) =	sbr.rel @p1 .LBB2_21-.Ltmp11, $4  }
0x21b: {  	v9 =	vmul.f32 v6, v9;
	v6 =	vld [tilespmem:s26+$0xFFFFFF80]  }
0x21c: {  	v7 =	vld [tilespmem:s30+$0xFFFFFE70]  }
0x21d: {  	v4 =	vadd.f32 v9, v4;
	v10 =	vmul.f32 v8, v10;
	v8 =	vld [tilespmem:s30+$0xFFFFFF70]  }
0x21e: {  	v11 =	vmul.f32 v14, v11;
	v9 =	vld [tilespmem:s30+$0x70];
	s30 =	sadd.s32 $0x400, s30  }
0x21f: {  	_ =	sdelay $0x1  }
0x220: {  	v3 =	vmul.f32 v6, v3;
	v5 =	vmul.f32 v7, v5  }
0x221: {  	v63 =	vmul.f32 v8, v10  }
0x222: {  	v2 =	vadd.f32 v11, v2;
	v1 =	vadd.f32 v5, v1;
	v3 =	vmul.f32 v9, v3  }
0x223: {  	v4 =	vadd.f32 v63, v4  }
0x224: {  	[tilespmem:s25+$0xFFFFFF00] =	vst v1;
	v1 =	vadd.f32 v3, v2  }
0x225: {  	s0 =	sadd.s32 $0xC240, s24;
	[tilespmem:s25+$0xFFFFFF80] =	vst v4  }
0x226: {  	p1 =	por $0x1, $0x1;
	[tilespmem:s25+$0x0] =	vst v1;
	s25 =	simm.s32 $0x0;
	v1 =	vmov s0  }
.LBB2_23:
0x227: {  	v2 =	vmov s25;
	s26 =	sor.u32 $0x10, s25  }
0x228: {  	v2 =	vshll.u32 v2, $0x7;
	v3 =	vmov s26  }
0x229: {  	v2 =	vor.u32 v0, v2;
	v3 =	vshll.u32 v3, $0x7  }
0x22a: {  	v3 =	vor.u32 v0, v3  }
0x22b: {  	v4 =	vor.u32 $0x1, v2  }
0x22c: {  	v5 =	vor.u32 $0x1, v3  }
0x22d: {  	v6 =	vor.u32 $0x2, v2  }
0x22e: {  	v8 =	vor.u32 $0x2, v3;
	v7 =	vld.idx.msk [tilespmem:v2+s19+$0x0], $0xffff  }
0x22f: {  	v9 =	vor.u32 $0x3, v2;
	v10 =	vld.idx.msk [tilespmem:v3+s19+$0x0], $0xffff  }
0x230: {  	v11 =	vor.u32 $0x3, v3;
	v4 =	vld.idx.msk [tilespmem:v4+s19+$0x0], $0xffff  }
0x231: {  	v12 =	vor.u32 $0x4, v2;
	v5 =	vld.idx.msk [tilespmem:v5+s19+$0x0], $0xffff  }
0x232: {  	v13 =	vor.u32 $0x4, v3;
	v6 =	vld.idx.msk [tilespmem:v6+s19+$0x0], $0xffff  }
0x233: {  	v14 =	vor.u32 $0x5, v2;
	v8 =	vld.idx.msk [tilespmem:v8+s19+$0x0], $0xffff;
	v7 =	vadd.f32 $0.0e+00, v7  }
0x234: {  	v15 =	vor.u32 $0x5, v3;
	v9 =	vld.idx.msk [tilespmem:v9+s19+$0x0], $0xffff;
	v10 =	vadd.f32 $0.0e+00, v10  }
0x235: {  	v43 =	vor.u32 $0x6, v2;
	v11 =	vld.idx.msk [tilespmem:v11+s19+$0x0], $0xffff;
	v4 =	vadd.f32 v4, v7  }
0x236: {  	v44 =	vor.u32 $0x6, v3;
	v12 =	vld.idx.msk [tilespmem:v12+s19+$0x0], $0xffff;
	v5 =	vadd.f32 v5, v10  }
0x237: {  	v45 =	vor.u32 $0x7, v2;
	v13 =	vld.idx.msk [tilespmem:v13+s19+$0x0], $0xffff;
	v4 =	vadd.f32 v6, v4  }
0x238: {  	v46 =	vor.u32 $0x7, v3;
	v14 =	vld.idx.msk [tilespmem:v14+s19+$0x0], $0xffff;
	v5 =	vadd.f32 v8, v5  }
0x239: {  	v47 =	vor.u32 $0x8, v2;
	v15 =	vld.idx.msk [tilespmem:v15+s19+$0x0], $0xffff;
	v4 =	vadd.f32 v9, v4  }
0x23a: {  	v48 =	vor.u32 $0x8, v3;
	v7 =	vld.idx.msk [tilespmem:v43+s19+$0x0], $0xffff;
	v5 =	vadd.f32 v11, v5  }
0x23b: {  	v49 =	vor.u32 $0x9, v2;
	v10 =	vld.idx.msk [tilespmem:v44+s19+$0x0], $0xffff;
	v4 =	vadd.f32 v12, v4  }
0x23c: {  	v50 =	vor.u32 $0x9, v3;
	v6 =	vld.idx.msk [tilespmem:v45+s19+$0x0], $0xffff;
	v5 =	vadd.f32 v13, v5  }
0x23d: {  	v51 =	vor.u32 $0xA, v2;
	v8 =	vld.idx.msk [tilespmem:v46+s19+$0x0], $0xffff;
	v4 =	vadd.f32 v14, v4  }
0x23e: {  	v52 =	vor.u32 $0xA, v3;
	v9 =	vld.idx.msk [tilespmem:v47+s19+$0x0], $0xffff;
	v5 =	vadd.f32 v15, v5  }
0x23f: {  	v53 =	vor.u32 $0xB, v2;
	v11 =	vld.idx.msk [tilespmem:v48+s19+$0x0], $0xffff;
	v4 =	vadd.f32 v7, v4  }
0x240: {  	v54 =	vor.u32 $0xB, v3;
	v12 =	vld.idx.msk [tilespmem:v49+s19+$0x0], $0xffff;
	v5 =	vadd.f32 v10, v5  }
0x241: {  	v55 =	vor.u32 $0xC, v2;
	v13 =	vld.idx.msk [tilespmem:v50+s19+$0x0], $0xffff;
	v4 =	vadd.f32 v6, v4  }
0x242: {  	v56 =	vor.u32 $0xC, v3;
	v14 =	vld.idx.msk [tilespmem:v51+s19+$0x0], $0xffff;
	v5 =	vadd.f32 v8, v5  }
0x243: {  	v57 =	vor.u32 $0xD, v2;
	v15 =	vld.idx.msk [tilespmem:v52+s19+$0x0], $0xffff;
	v4 =	vadd.f32 v9, v4  }
0x244: {  	v58 =	vor.u32 $0xD, v3;
	v7 =	vld.idx.msk [tilespmem:v53+s19+$0x0], $0xffff;
	v5 =	vadd.f32 v11, v5  }
0x245: {  	v59 =	vor.u32 $0xE, v2;
	v10 =	vld.idx.msk [tilespmem:v54+s19+$0x0], $0xffff;
	v4 =	vadd.f32 v12, v4  }
0x246: {  	v60 =	vor.u32 $0xE, v3;
	v6 =	vld.idx.msk [tilespmem:v55+s19+$0x0], $0xffff;
	v5 =	vadd.f32 v13, v5  }
0x247: {  	v2 =	vor.u32 $0xF, v2;
	v8 =	vld.idx.msk [tilespmem:v56+s19+$0x0], $0xffff;
	v4 =	vadd.f32 v14, v4  }
0x248: {  	v3 =	vor.u32 $0xF, v3;
	v9 =	vld.idx.msk [tilespmem:v57+s19+$0x0], $0xffff;
	v5 =	vadd.f32 v15, v5  }
0x249: {  	v61 =	vld.idx.msk [tilespmem:v58+s19+$0x0], $0xffff;
	v4 =	vadd.f32 v7, v4  }
0x24a: {  	v62 =	vld.idx.msk [tilespmem:v59+s19+$0x0], $0xffff;
	v5 =	vadd.f32 v10, v5  }
0x24b: {  	v63 =	vld.idx.msk [tilespmem:v60+s19+$0x0], $0xffff;
	v4 =	vadd.f32 v6, v4  }
0x24c: {  	v2 =	vld.idx.msk [tilespmem:v2+s19+$0x0], $0xffff;
	v5 =	vadd.f32 v8, v5  }
0x24d: {  	v3 =	vld.idx.msk [tilespmem:v3+s19+$0x0], $0xffff;
	v4 =	vadd.f32 v9, v4  }
0x24e: {  	v5 =	vadd.f32 v61, v5  }
0x24f: {  	p2 =	por p1, p1;
	v4 =	vadd.f32 v62, v4  }
.Ltmp12:
0x250: {  	v5 =	vadd.f32 v63, v5;
	(pc) =	sbr.rel @p2 .LBB2_23-.Ltmp12, $4  }
0x251: {  	v2 =	vadd.f32 v2, v4  }
0x252: {  	v3 =	vadd.f32 v3, v5  }
0x253: {  	[tilespmem:v1+s25+$0x0 ss:$0x1] =	vst.idx.msk $0xffff, v2  }
0x254: {  	p1 =	por $0x0, $0x0;
	s25 =	simm.s32 $0x20;
	[tilespmem:v1+s26+$0x0 ss:$0x1] =	vst.idx.msk $0xffff, v3  }
.Ltmp13:
0x255: {  	(pc) =	sbr.rel @p0 .LBB2_30-.Ltmp13, $1  }
0x256: {  	_ =	sdelay $0x3  }
0x257: {  	s24 =	sadd.s32 $0xC0, s24  }
0x258: {  	s0 =	sadd.s32 s6, s24  }
0x259: {  	s0 =	sshll.u32 s0, $0x4  }
0x25a: {  	s25 =	sand.u32 $0x1FFFFC00, s0  }
0x25b: {  	s28 =	simm.s32 $0x280;
	s26 =	sadd.s32 s1, s25  }
0x25c: {  	s29 =	simm.s32 $0x10;
	s30 =	simm.s32 $0x380;
	s0 =	sadd.s32 $0x0, s26  }
.LBB2_26:
0x25d: {  	[tilespmem:s28], [sflag:$0x2] =	stream.linear.gather [hbm4b:s0+s5], $0x80, $0x38;
	[tilespmem:$0xE400] =	vst v63  }
0x25e: {  	s0 =	smov.u32 s29;
	s28 =	smov.u32 s30;
	p0 =	sne.s32 s29, $0x3F0  }
.Ltmp14:
0x25f: {  	s29 =	sadd.s32 $0x10, s29;
	(pc) =	sbr.rel @p0 .LBB2_26-.Ltmp14, $2  }
0x260: {  	_ =	sdelay $0x2  }
0x261: {  	s30 =	sadd.s32 $0x100, s30;
	s0 =	sadd.s32 s0, s26  }
0x262: {  	[tilespmem:s28], [sflag:$0x2] =	stream.linear.gather [hbm4b:s0+s5], $0x80, $0x38;
	[tilespmem:$0xE400] =	vst v63  }
0x263: {  	s25 =	sadd.s32 s2, s25;
	s26 =	simm.s32 $0x4280  }
0x264: {  	s28 =	simm.s32 $0x10;
	s29 =	simm.s32 $0x4380;
	s0 =	sadd.s32 $0x0, s25  }
.LBB2_28:
0x265: {  	[tilespmem:s26], [sflag:$0x2] =	stream.linear.gather [hbm4b:s0+s5], $0x80, $0x38;
	[tilespmem:$0xE400] =	vst v63  }
0x266: {  	s0 =	smov.u32 s28;
	s26 =	smov.u32 s29;
	p0 =	sne.s32 s28, $0x3F0  }
.Ltmp15:
0x267: {  	s28 =	sadd.s32 $0x10, s28;
	(pc) =	sbr.rel @p0 .LBB2_28-.Ltmp15, $2  }
0x268: {  	_ =	sdelay $0x2  }
0x269: {  	s29 =	sadd.s32 $0x100, s29;
	s0 =	sadd.s32 s0, s25  }
.Ltmp16:
0x26a: {  	(pc) =	sbr.rel .LBB2_10-.Ltmp16, $4  }
0x26b: {  	_ = 	snop  }
0x26c: {  	[tilespmem:s26], [sflag:$0x2] =	stream.linear.gather [hbm4b:s0+s5], $0x80, $0x38;
	[tilespmem:$0xE400] =	vst v63  }
0x26d: {  	s23 =	sadd.s32 $0x1, s23  }
0x26e: {  	[tilespmem:s17], [sflag:$0x2] =	stream.indirect.gather [hbm4b:s3+s15], $0x80, s24, s15, $0xb8;
	[tilespmem:$0xE400] =	vst v63  }
.LBB2_31:
0x26f: {  	_ =	sfence.sel $0x180000  }
0x270: {  	[bflag:$0x0] =	sbarrier.arrive $0xFFFF  }
0x271: {  	_ =	strace $0x90000047  }
0x272: {  	[bflag:$0x2] =	sbarrier.arrive $0xFFFF  }
0x273: {  	p0 =	sne.s32 s4, $0x0;
	s0 =	rddreg [dreg:$0x5]  }
0x274: {  	s0 =	sadd.s32 @!p0 $0x100000, s0  }
0x275: {  	[sflag:s0] =	ssyncadd.tile.s32 @!p0 $0x1;
	_ =	shalt  }
.Lfunc_end2:
_tile_overlayer_lowered:
.L_overlay_start_2:
0x276: {  	(tag) =	ssettag $0x2  }
0x277: {  	s0 =	rddreg [dreg:$0x0];
	s2 =	stileid.u32  }
0x278: {  	s1 =	rddreg [dreg:$0x1];
	p0 =	sne.s32 s2, $0x0  }
0x279: {  	s3 =	rddreg [dreg:$0x2];
	[bflag:$0x3] =	sbarrier.arrive $0xFFFF;
	s2 =	simm.s32 @!p0 $0x1C03  }
0x27a: {  	[timem:s3], [sflag:s2] =	dma.local @!p0 [hbm:s0], s1  }
0x27b: {  	s0 =	simm.s32 @!p0 $0x3  }
0x27c: {  	_ =	swait.ge @!p0 [sflag:s0], s1  }
0x27d: {  	s1 =	ssub.s32 @!p0 $0x0, s1;
	[sflag:s0] =	ssyncset.done @!p0 $0x0  }
0x27e: {  	[sflag:s0] =	ssyncadd.s32 @!p0 s1  }
0x27f: {  	[bflag:$0x3] =	sbarrier.arrive $0xFFFF  }
0x280: {  	_ =	shalt  }

</sc_bundles>
